<compile_context>
chip_gen: v7x
topology: tpu7x:2x2x1
jax: 0.10.2.dev20260603
libtpu: 0.0.44.dev20260713+nightly
codegen_flags: <defaults>
</compile_context>

<pallas_src>
import functools

import jax
import jax.numpy as jnp
import numpy as np
from jax import lax
from jax.experimental import pallas as pl
from jax.experimental.pallas import tpu as pltpu
from jax.experimental.pallas import tpu_sc as plsc

N = 10000
E = 320000
D = 128
H = 64
T = 10

NC = 2
NS = 16
NW = NC * NS
CH = 80
NCH = 125
EPW = NCH * CH
NBUF = 5
N_PAD = 10112
ZR = N_PAD // NS

_COLPOS = np.arange(H).reshape(2, 16, 2).transpose(0, 2, 1).reshape(H)
_PERM = np.argsort(_COLPOS)


def _dot_rt(a, bt):
    return lax.dot_general(a, bt, (((1,), (1,)), ((), ())),
                           preferred_element_type=jnp.float32)


def _mlp_a_body(x_ref, w1t_ref, b1_ref, w2p_ref, b2p_ref, whpt_ref, bhp_ref,
                wht_ref, bh_ref, p_ref, h_ref):
    x = x_ref[...]
    t = jnp.tanh(_dot_rt(x, w1t_ref[...]) + b1_ref[...])
    filt_p = jax.nn.sigmoid(
        jnp.dot(t, w2p_ref[...], preferred_element_type=jnp.float32)
        + b2p_ref[...])
    h_p = jnp.maximum(_dot_rt(x, whpt_ref[...]) + bhp_ref[...], 0.0)
    h = jnp.maximum(_dot_rt(x, wht_ref[...]) + bh_ref[...], 0.0)
    h_ref[...] = h
    p_ref[...] = (h_p * filt_p).astype(jnp.bfloat16)


_BLK = 1000

_mlp_a = pl.pallas_call(
    _mlp_a_body,
    grid=(N // _BLK,),
    in_specs=[
        pl.BlockSpec((_BLK, D), lambda i: (i, 0)),
        pl.BlockSpec((H, D), lambda i: (0, 0)),
        pl.BlockSpec((1, H), lambda i: (0, 0)),
        pl.BlockSpec((H, H), lambda i: (0, 0)),
        pl.BlockSpec((1, H), lambda i: (0, 0)),
        pl.BlockSpec((H, D), lambda i: (0, 0)),
        pl.BlockSpec((1, H), lambda i: (0, 0)),
        pl.BlockSpec((H, D), lambda i: (0, 0)),
        pl.BlockSpec((1, H), lambda i: (0, 0)),
    ],
    out_specs=(pl.BlockSpec((_BLK, H), lambda i: (i, 0)),
               pl.BlockSpec((_BLK, H), lambda i: (i, 0))),
    out_shape=(jax.ShapeDtypeStruct((N, H), jnp.bfloat16),
               jax.ShapeDtypeStruct((N, H), jnp.float32)),
)


def _mlp_b_body(h_ref, agg_ref, wg_ref, bg_ref, wo_ref, bo_ref, out_ref):
    s = h_ref[...]
    for c in range(NC):
        s = s + agg_ref[:N, c * H:(c + 1) * H]
    h2 = jnp.maximum(
        jnp.dot(s, wg_ref[...], preferred_element_type=jnp.float32)
        + bg_ref[...], 0.0)
    out_ref[...] = (lax.dot_general(wo_ref[...], h2, (((0,), (1,)), ((), ())),
                    preferred_element_type=jnp.float32) + bo_ref[...])


_mlp_b = pl.pallas_call(
    _mlp_b_body,
    out_shape=jax.ShapeDtypeStruct((T, N), jnp.float32),
)


@functools.partial(
    pl.kernel,
    out_type=jax.ShapeDtypeStruct((N_PAD, NC * H), jnp.float32),
    mesh=plsc.VectorSubcoreMesh(core_axis_name="c", subcore_axis_name="s",
                                num_cores=NC),
    scratch_types=[
        pltpu.VMEM((EPW,), jnp.int32),
        pltpu.VMEM((EPW,), jnp.int32),
        pltpu.VMEM((NBUF, CH, H), jnp.bfloat16),
        pltpu.VMEM((NBUF, CH, H), jnp.float32),
        pltpu.VMEM_SHARED((N_PAD, H), jnp.float32),
        pltpu.SemaphoreType.DMA((NBUF,)),
        pltpu.SemaphoreType.DMA((NBUF,)),
    ],
    compiler_params=pltpu.CompilerParams(use_tc_tiling_on_sc=False,
                                         needs_layout_passes=False),
)
def _sc_agg(p_hbm, edge_hbm, zeros_hbm, out_hbm,
            src_v, dst_v, rows_bf, rows_f, acc_shared, gsem, ssem):
    cid = lax.axis_index("c")
    sid = lax.axis_index("s")
    wid = cid * NS + sid
    zc = pltpu.async_copy(zeros_hbm.at[pl.ds(sid * ZR, ZR)],
                          acc_shared.at[pl.ds(sid * ZR, ZR)], gsem.at[0])
    sc = pltpu.async_copy(edge_hbm.at[0, pl.ds(wid * EPW, EPW)], src_v,
                          gsem.at[1])
    dc = pltpu.async_copy(edge_hbm.at[1, pl.ds(wid * EPW, EPW)], dst_v,
                          gsem.at[2])
    zc.wait()
    sc.wait()
    dc.wait()
    plsc.subcore_barrier()

    for b in range(NBUF):
        pltpu.async_copy(p_hbm.at[src_v.at[pl.ds(b * CH, CH)]], rows_bf.at[b], gsem.at[b])

    @pl.loop(0, NCH, step=NBUF)
    def _(j):
        for b in range(NBUF):
            pltpu.make_async_copy(p_hbm.at[src_v.at[pl.ds((j + b) * CH, CH)]], rows_bf.at[b],
                                  gsem.at[b]).wait()

            @pl.when(j + b >= NBUF)
            def _():
                pltpu.make_async_copy(rows_f.at[b], acc_shared.at[dst_v.at[pl.ds(0, CH)]],
                                      ssem.at[b]).wait()

            @pl.loop(0, CH)
            def _(r):
                for g in range(2):
                    v = rows_bf.at[b][r, pl.ds(g * 32, 32)]
                    w = plsc.bitcast(v, jnp.int32)
                    lo = plsc.bitcast(w << jnp.int32(16), jnp.float32)
                    hi = plsc.bitcast(w & jnp.int32(-65536), jnp.float32)
                    rows_f.at[b][r, pl.ds(g * 32, 16)] = lo
                    rows_f.at[b][r, pl.ds(g * 32 + 16, 16)] = hi

            pltpu.async_copy(rows_f.at[b], acc_shared.at[dst_v.at[pl.ds((j + b) * CH, CH)]],
                             ssem.at[b], add=True)

            @pl.when(j + b + NBUF < NCH)
            def _():
                pltpu.async_copy(p_hbm.at[src_v.at[pl.ds((j + b + NBUF) * CH, CH)]],
                                 rows_bf.at[b], gsem.at[b])

    for b in range(NBUF):
        pltpu.make_async_copy(rows_f.at[b], acc_shared.at[dst_v.at[pl.ds(0, CH)]],
                              ssem.at[b]).wait()
    plsc.subcore_barrier()
    pltpu.sync_copy(acc_shared.at[pl.ds(sid * ZR, ZR)],
                    out_hbm.at[pl.ds(sid * ZR, ZR), pl.ds(cid * H, H)])


def kernel(x, edge_index, W1, b1, W2, b2, Wh, bh, Wg, bg, Wo, bo):
    p, h = _mlp_a(x, W1.T, b1.reshape(1, H), W2[:, _PERM],
                  b2[_PERM].reshape(1, H), Wh.T[_PERM],
                  bh[_PERM].reshape(1, H), Wh.T, bh.reshape(1, H))
    zeros = jnp.zeros((N_PAD, H), jnp.float32)
    agg = _sc_agg(p, edge_index, zeros)
    return _mlp_b(h, agg, Wg, bg.reshape(1, H), Wo, bo.reshape(T, 1)).T

# --- scband reference (transcript-rebuilt; emitter-appended) ---
"""Pipeline reference for scband-amp-77670188581231 (READ-ONLY COPY).

The authoritative reference and input builder live on the scoring server;
editing this copy changes nothing except your own understanding.
"""

import jax, jax.numpy as jnp
import numpy as np

N = 10000
E = 320000
D = 128
H = 64
T = 10

def setup_inputs(seed: int = 0) -> dict:
    key = jax.random.key(seed)
    ks = jax.random.split(key, 14)
    x = jax.random.normal(ks[0], (N, D), dtype=jnp.float32)
    edge_index = jax.random.randint(ks[1], (2, E), 0, N, dtype=jnp.int32)
    # MessageFilter params: Linear(D,H) -> Tanh -> Linear(H,H)
    W1 = jax.random.normal(ks[2], (D, H), dtype=jnp.float32) / np.sqrt(D)
    b1 = jnp.zeros((H,), dtype=jnp.float32)
    W2 = jax.random.normal(ks[3], (H, H), dtype=jnp.float32) / np.sqrt(H)
    b2 = jnp.zeros((H,), dtype=jnp.float32)
    # first hidden layer (node-wise MLP, layer_id == 1 path)
    Wh = jax.random.normal(ks[4], (D, H), dtype=jnp.float32) / np.sqrt(D)
    bh = jnp.zeros((H,), dtype=jnp.float32)
    # GIN-style message-passing layer MLP (layer_id > 1 path)
    Wg = jax.random.normal(ks[5], (H, H), dtype=jnp.float32) / np.sqrt(H)
    bg = jnp.zeros((H,), dtype=jnp.float32)
    # per-node output readout (global_aggregation=False)
    Wo = jax.random.normal(ks[6], (H, T), dtype=jnp.float32) / np.sqrt(H)
    bo = jnp.zeros((T,), dtype=jnp.float32)
    return {"x": x, "edge_index": edge_index, "W1": W1, "b1": b1, "W2": W2, "b2": b2,
            "Wh": Wh, "bh": bh, "Wg": Wg, "bg": bg, "Wo": Wo, "bo": bo}

def reference(x, edge_index, W1, b1, W2, b2, Wh, bh, Wg, bg, Wo, bo):
    # MessageFilter: sigmoid(Linear(Tanh(Linear(x)))) on input features
    filt = jax.nn.sigmoid(jnp.tanh(x @ W1 + b1) @ W2 + b2)        # [N, H]
    # layer 1: node-wise hidden transform (layer_id == 1 branch)
    h = jax.nn.relu(x @ Wh + bh)                                   # [N, H]
    # layer 2: message passing with edge message filters gathered at source nodes
    src = edge_index[0]
    dst = edge_index[1]
    edge_msg_filter = filt[src]                                    # gather [E, H]
    msgs = h[src] * edge_msg_filter                                # gather + elementwise [E, H]
    agg = jax.ops.segment_sum(msgs, dst, num_segments=N)           # scatter-add [N, H]
    h2 = jax.nn.relu((h + agg) @ Wg + bg)                          # [N, H]
    # per-node output readout (no global aggregation)
    out = h2 @ Wo + bo                                             # [N, T]
    return out

if __name__ == "__main__":
    import jax
    _d = setup_inputs()
    print(jax.jit(kernel)(*tuple(_d.values())))

</pallas_src>

<mosaic_0001>
#map = affine_map<(d0, d1) -> (0, 0)>
module attributes {stable_mosaic.version = 14 : i64} {
  func.func @_sc_agg(%arg0: i32, %arg1: i32, %arg2: memref<10000x64xbf16, #tpu.memory_space<hbm>>, %arg3: memref<2x320000xi32, #tpu.memory_space<hbm>>, %arg4: memref<10112x64xf32, #tpu.memory_space<hbm>>, %arg5: memref<10112x128xf32, #tpu.memory_space<hbm>>, %arg6: memref<10000xi32, #tpu.memory_space<vmem>>, %arg7: memref<10000xi32, #tpu.memory_space<vmem>>, %arg8: memref<5x80x64xbf16, #tpu.memory_space<vmem>>, %arg9: memref<5x80x64xf32, #tpu.memory_space<vmem>>, %arg10: memref<10112x64xf32, #tpu.memory_space<vmem_shared>>, %arg11: memref<5x!tpu.dma_semaphore, #tpu.memory_space<semaphore_mem>>, %arg12: memref<5x!tpu.dma_semaphore, #tpu.memory_space<semaphore_mem>>) attributes {dimension_semantics = [#tpu.dimension_semantics<core_parallel>, #tpu.dimension_semantics<subcore_parallel>], iteration_bounds = array<i64: 2, 16>, scalar_prefetch = 0 : i64, scratch_operands = 7 : i64, tpu.core_type = #tpu.core_type<sc_vector_subcore>, window_params = [{transform_indices = #map}, {transform_indices = #map}, {transform_indices = #map}, {transform_indices = #map}]} {
    %mul3A = arith.constant 16 : i32
    %mul3A_0 = arith.muli %arg0, %mul3A : i32
    %add3A = arith.addi %mul3A_0, %arg1 : i32
    %mul3A_1 = arith.constant 632 : i32
    %mul3A_2 = arith.muli %arg1, %mul3A_1 : i32
    %mul3A_3 = arith.constant 632 : i32
    %mul3A_4 = arith.muli %arg1, %mul3A_3 : i32
    %dma_start3A = arith.constant 0 : i32
    %dma_start3A_5 = tpu.memref_slice %arg11[%dma_start3A] : memref<5x!tpu.dma_semaphore, #tpu.memory_space<semaphore_mem>> -> memref<1x!tpu.dma_semaphore, #tpu.memory_space<semaphore_mem>>
    %dma_start3A_6 = tpu.memref_squeeze %dma_start3A_5 : memref<1x!tpu.dma_semaphore, #tpu.memory_space<semaphore_mem>> -> memref<!tpu.dma_semaphore, #tpu.memory_space<semaphore_mem>>
    %dma_start3A_7 = arith.constant 0 : i32
    %dma_start3A_8 = tpu.memref_slice %arg10[%mul3A_4, %dma_start3A_7] : memref<10112x64xf32, #tpu.memory_space<vmem_shared>> -> memref<632x64xf32, #tpu.memory_space<vmem_shared>>
    %dma_start3A_9 = arith.constant 0 : i32
    %dma_start3A_10 = tpu.memref_slice %arg4[%mul3A_2, %dma_start3A_9] : memref<10112x64xf32, #tpu.memory_space<hbm>> -> memref<632x64xf32, #tpu.memory_space<hbm>>
    tpu.enqueue_dma source(%dma_start3A_10 : memref<632x64xf32, #tpu.memory_space<hbm>>) target(%dma_start3A_8 : memref<632x64xf32, #tpu.memory_space<vmem_shared>>) target_semaphore(%dma_start3A_6 : memref<!tpu.dma_semaphore, #tpu.memory_space<semaphore_mem>>)
    %mul3A_11 = arith.constant 10000 : i32
    %mul3A_12 = arith.muli %add3A, %mul3A_11 : i32
    %dma_start3A_13 = arith.constant 0 : i32
    %dma_start3A_14 = arith.constant 1 : i32
    %dma_start3A_15 = tpu.memref_slice %arg3[%dma_start3A_13, %mul3A_12] : memref<2x320000xi32, #tpu.memory_space<hbm>> -> memref<1x10000xi32, #tpu.memory_space<hbm>>
    %dma_start3A_16 = tpu.memref_squeeze %dma_start3A_15 : memref<1x10000xi32, #tpu.memory_space<hbm>> -> memref<10000xi32, #tpu.memory_space<hbm>>
    %dma_start3A_17 = tpu.memref_slice %arg11[%dma_start3A_14] : memref<5x!tpu.dma_semaphore, #tpu.memory_space<semaphore_mem>> -> memref<1x!tpu.dma_semaphore, #tpu.memory_space<semaphore_mem>>
    %dma_start3A_18 = tpu.memref_squeeze %dma_start3A_17 : memref<1x!tpu.dma_semaphore, #tpu.memory_space<semaphore_mem>> -> memref<!tpu.dma_semaphore, #tpu.memory_space<semaphore_mem>>
    %dma_start3A_19 = tpu.memref_slice %arg3[%dma_start3A_13, %mul3A_12] : memref<2x320000xi32, #tpu.memory_space<hbm>> -> memref<1x10000xi32, #tpu.memory_space<hbm>>
    %dma_start3A_20 = tpu.memref_squeeze %dma_start3A_19 : memref<1x10000xi32, #tpu.memory_space<hbm>> -> memref<10000xi32, #tpu.memory_space<hbm>>
    tpu.enqueue_dma source(%dma_start3A_20 : memref<10000xi32, #tpu.memory_space<hbm>>) target(%arg6 : memref<10000xi32, #tpu.memory_space<vmem>>) target_semaphore(%dma_start3A_18 : memref<!tpu.dma_semaphore, #tpu.memory_space<semaphore_mem>>)
    %mul3A_21 = arith.constant 10000 : i32
    %mul3A_22 = arith.muli %add3A, %mul3A_21 : i32
    %dma_start3A_23 = arith.constant 1 : i32
    %dma_start3A_24 = arith.constant 2 : i32
    %dma_start3A_25 = tpu.memref_slice %arg3[%dma_start3A_23, %mul3A_22] : memref<2x320000xi32, #tpu.memory_space<hbm>> -> memref<1x10000xi32, #tpu.memory_space<hbm>>
    %dma_start3A_26 = tpu.memref_squeeze %dma_start3A_25 : memref<1x10000xi32, #tpu.memory_space<hbm>> -> memref<10000xi32, #tpu.memory_space<hbm>>
    %dma_start3A_27 = tpu.memref_slice %arg11[%dma_start3A_24] : memref<5x!tpu.dma_semaphore, #tpu.memory_space<semaphore_mem>> -> memref<1x!tpu.dma_semaphore, #tpu.memory_space<semaphore_mem>>
    %dma_start3A_28 = tpu.memref_squeeze %dma_start3A_27 : memref<1x!tpu.dma_semaphore, #tpu.memory_space<semaphore_mem>> -> memref<!tpu.dma_semaphore, #tpu.memory_space<semaphore_mem>>
    %dma_start3A_29 = tpu.memref_slice %arg3[%dma_start3A_23, %mul3A_22] : memref<2x320000xi32, #tpu.memory_space<hbm>> -> memref<1x10000xi32, #tpu.memory_space<hbm>>
    %dma_start3A_30 = tpu.memref_squeeze %dma_start3A_29 : memref<1x10000xi32, #tpu.memory_space<hbm>> -> memref<10000xi32, #tpu.memory_space<hbm>>
    tpu.enqueue_dma source(%dma_start3A_30 : memref<10000xi32, #tpu.memory_space<hbm>>) target(%arg7 : memref<10000xi32, #tpu.memory_space<vmem>>) target_semaphore(%dma_start3A_28 : memref<!tpu.dma_semaphore, #tpu.memory_space<semaphore_mem>>)
    %dma_wait3A = arith.constant 0 : i32
    %dma_wait3A_31 = tpu.memref_slice %arg11[%dma_wait3A] : memref<5x!tpu.dma_semaphore, #tpu.memory_space<semaphore_mem>> -> memref<1x!tpu.dma_semaphore, #tpu.memory_space<semaphore_mem>>
    %dma_wait3A_32 = tpu.memref_squeeze %dma_wait3A_31 : memref<1x!tpu.dma_semaphore, #tpu.memory_space<semaphore_mem>> -> memref<!tpu.dma_semaphore, #tpu.memory_space<semaphore_mem>>
    %dma_wait3A_33 = arith.constant 0 : i32
    %dma_wait3A_34 = tpu.memref_slice %arg10[%mul3A_4, %dma_wait3A_33] : memref<10112x64xf32, #tpu.memory_space<vmem_shared>> -> memref<632x64xf32, #tpu.memory_space<vmem_shared>>
    %dma_wait3A_35 = arith.constant 0 : i32
    %dma_wait3A_36 = tpu.memref_slice %arg4[%mul3A_2, %dma_wait3A_35] : memref<10112x64xf32, #tpu.memory_space<hbm>> -> memref<632x64xf32, #tpu.memory_space<hbm>>
    tpu.wait_dma2 semaphore(%dma_wait3A_32 : memref<!tpu.dma_semaphore, #tpu.memory_space<semaphore_mem>>) src(%dma_wait3A_36 : memref<632x64xf32, #tpu.memory_space<hbm>>) dst(%dma_wait3A_34 : memref<632x64xf32, #tpu.memory_space<vmem_shared>>)
    %dma_wait3A_37 = arith.constant 0 : i32
    %dma_wait3A_38 = arith.constant 1 : i32
    %dma_wait3A_39 = tpu.memref_slice %arg3[%dma_wait3A_37, %mul3A_12] : memref<2x320000xi32, #tpu.memory_space<hbm>> -> memref<1x10000xi32, #tpu.memory_space<hbm>>
    %dma_wait3A_40 = tpu.memref_squeeze %dma_wait3A_39 : memref<1x10000xi32, #tpu.memory_space<hbm>> -> memref<10000xi32, #tpu.memory_space<hbm>>
    %dma_wait3A_41 = tpu.memref_slice %arg11[%dma_wait3A_38] : memref<5x!tpu.dma_semaphore, #tpu.memory_space<semaphore_mem>> -> memref<1x!tpu.dma_semaphore, #tpu.memory_space<semaphore_mem>>
    %dma_wait3A_42 = tpu.memref_squeeze %dma_wait3A_41 : memref<1x!tpu.dma_semaphore, #tpu.memory_space<semaphore_mem>> -> memref<!tpu.dma_semaphore, #tpu.memory_space<semaphore_mem>>
    %dma_wait3A_43 = tpu.memref_slice %arg3[%dma_wait3A_37, %mul3A_12] : memref<2x320000xi32, #tpu.memory_space<hbm>> -> memref<1x10000xi32, #tpu.memory_space<hbm>>
    %dma_wait3A_44 = tpu.memref_squeeze %dma_wait3A_43 : memref<1x10000xi32, #tpu.memory_space<hbm>> -> memref<10000xi32, #tpu.memory_space<hbm>>
    tpu.wait_dma2 semaphore(%dma_wait3A_42 : memref<!tpu.dma_semaphore, #tpu.memory_space<semaphore_mem>>) src(%dma_wait3A_44 : memref<10000xi32, #tpu.memory_space<hbm>>) dst(%arg6 : memref<10000xi32, #tpu.memory_space<vmem>>)
    %dma_wait3A_45 = arith.constant 1 : i32
    %dma_wait3A_46 = arith.constant 2 : i32
    %dma_wait3A_47 = tpu.memref_slice %arg3[%dma_wait3A_45, %mul3A_22] : memref<2x320000xi32, #tpu.memory_space<hbm>> -> memref<1x10000xi32, #tpu.memory_space<hbm>>
    %dma_wait3A_48 = tpu.memref_squeeze %dma_wait3A_47 : memref<1x10000xi32, #tpu.memory_space<hbm>> -> memref<10000xi32, #tpu.memory_space<hbm>>
    %dma_wait3A_49 = tpu.memref_slice %arg11[%dma_wait3A_46] : memref<5x!tpu.dma_semaphore, #tpu.memory_space<semaphore_mem>> -> memref<1x!tpu.dma_semaphore, #tpu.memory_space<semaphore_mem>>
    %dma_wait3A_50 = tpu.memref_squeeze %dma_wait3A_49 : memref<1x!tpu.dma_semaphore, #tpu.memory_space<semaphore_mem>> -> memref<!tpu.dma_semaphore, #tpu.memory_space<semaphore_mem>>
    %dma_wait3A_51 = tpu.memref_slice %arg3[%dma_wait3A_45, %mul3A_22] : memref<2x320000xi32, #tpu.memory_space<hbm>> -> memref<1x10000xi32, #tpu.memory_space<hbm>>
    %dma_wait3A_52 = tpu.memref_squeeze %dma_wait3A_51 : memref<1x10000xi32, #tpu.memory_space<hbm>> -> memref<10000xi32, #tpu.memory_space<hbm>>
    tpu.wait_dma2 semaphore(%dma_wait3A_50 : memref<!tpu.dma_semaphore, #tpu.memory_space<semaphore_mem>>) src(%dma_wait3A_52 : memref<10000xi32, #tpu.memory_space<hbm>>) dst(%arg7 : memref<10000xi32, #tpu.memory_space<vmem>>)
    %barrier3A = arith.constant 0 : index
    tpu.barrier barrier_id(%barrier3A)
    %dma_start3A_53 = arith.constant 0 : i32
    %dma_start3A_54 = arith.constant 0 : i32
    %dma_start3A_55 = arith.constant 0 : i32
    %dma_start3A_56 = arith.constant 0 : i32
    %dma_start3A_57 = tpu.memref_slice %arg8[%dma_start3A_53, %dma_start3A_55, %dma_start3A_56] : memref<5x80x64xbf16, #tpu.memory_space<vmem>> -> memref<1x80x64xbf16, #tpu.memory_space<vmem>>
    %dma_start3A_58 = tpu.memref_squeeze %dma_start3A_57 : memref<1x80x64xbf16, #tpu.memory_space<vmem>> -> memref<80x64xbf16, #tpu.memory_space<vmem>>
    %dma_start3A_59 = arith.constant 0 : i32
    %dma_start3A_60 = tpu.memref_slice %arg6[%dma_start3A_59] : memref<10000xi32, #tpu.memory_space<vmem>> -> memref<80xi32, #tpu.memory_space<vmem>>
    %dma_start3A_61 = arith.constant 0 : i32
    %dma_start3A_62 = arith.constant 0 : i32
    %dma_start3A_63 = tpu.memref_slice %arg2[%dma_start3A_61, %dma_start3A_62] : memref<10000x64xbf16, #tpu.memory_space<hbm>> -> memref<10000x64xbf16, #tpu.memory_space<hbm>>
    %dma_start3A_64 = tpu.memref_slice %arg11[%dma_start3A_54] : memref<5x!tpu.dma_semaphore, #tpu.memory_space<semaphore_mem>> -> memref<1x!tpu.dma_semaphore, #tpu.memory_space<semaphore_mem>>
    %dma_start3A_65 = tpu.memref_squeeze %dma_start3A_64 : memref<1x!tpu.dma_semaphore, #tpu.memory_space<semaphore_mem>> -> memref<!tpu.dma_semaphore, #tpu.memory_space<semaphore_mem>>
    tpu.enqueue_indirect_dma source(%dma_start3A_63 : memref<10000x64xbf16, #tpu.memory_space<hbm>>) target(%dma_start3A_58 : memref<80x64xbf16, #tpu.memory_space<vmem>>) offsets(%dma_start3A_60 : memref<80xi32, #tpu.memory_space<vmem>>) semaphore(%dma_start3A_65 : memref<!tpu.dma_semaphore, #tpu.memory_space<semaphore_mem>>)
    %dma_start3A_66 = arith.constant 1 : i32
    %dma_start3A_67 = arith.constant 1 : i32
    %dma_start3A_68 = arith.constant 0 : i32
    %dma_start3A_69 = arith.constant 0 : i32
    %dma_start3A_70 = tpu.memref_slice %arg8[%dma_start3A_66, %dma_start3A_68, %dma_start3A_69] : memref<5x80x64xbf16, #tpu.memory_space<vmem>> -> memref<1x80x64xbf16, #tpu.memory_space<vmem>>
    %dma_start3A_71 = tpu.memref_squeeze %dma_start3A_70 : memref<1x80x64xbf16, #tpu.memory_space<vmem>> -> memref<80x64xbf16, #tpu.memory_space<vmem>>
    %dma_start3A_72 = arith.constant 80 : i32
    %dma_start3A_73 = tpu.memref_slice %arg6[%dma_start3A_72] : memref<10000xi32, #tpu.memory_space<vmem>> -> memref<80xi32, #tpu.memory_space<vmem>>
    %dma_start3A_74 = arith.constant 0 : i32
    %dma_start3A_75 = arith.constant 0 : i32
    %dma_start3A_76 = tpu.memref_slice %arg2[%dma_start3A_74, %dma_start3A_75] : memref<10000x64xbf16, #tpu.memory_space<hbm>> -> memref<10000x64xbf16, #tpu.memory_space<hbm>>
    %dma_start3A_77 = tpu.memref_slice %arg11[%dma_start3A_67] : memref<5x!tpu.dma_semaphore, #tpu.memory_space<semaphore_mem>> -> memref<1x!tpu.dma_semaphore, #tpu.memory_space<semaphore_mem>>
    %dma_start3A_78 = tpu.memref_squeeze %dma_start3A_77 : memref<1x!tpu.dma_semaphore, #tpu.memory_space<semaphore_mem>> -> memref<!tpu.dma_semaphore, #tpu.memory_space<semaphore_mem>>
    tpu.enqueue_indirect_dma source(%dma_start3A_76 : memref<10000x64xbf16, #tpu.memory_space<hbm>>) target(%dma_start3A_71 : memref<80x64xbf16, #tpu.memory_space<vmem>>) offsets(%dma_start3A_73 : memref<80xi32, #tpu.memory_space<vmem>>) semaphore(%dma_start3A_78 : memref<!tpu.dma_semaphore, #tpu.memory_space<semaphore_mem>>)
    %dma_start3A_79 = arith.constant 2 : i32
    %dma_start3A_80 = arith.constant 2 : i32
    %dma_start3A_81 = arith.constant 0 : i32
    %dma_start3A_82 = arith.constant 0 : i32
    %dma_start3A_83 = tpu.memref_slice %arg8[%dma_start3A_79, %dma_start3A_81, %dma_start3A_82] : memref<5x80x64xbf16, #tpu.memory_space<vmem>> -> memref<1x80x64xbf16, #tpu.memory_space<vmem>>
    %dma_start3A_84 = tpu.memref_squeeze %dma_start3A_83 : memref<1x80x64xbf16, #tpu.memory_space<vmem>> -> memref<80x64xbf16, #tpu.memory_space<vmem>>
    %dma_start3A_85 = arith.constant 160 : i32
    %dma_start3A_86 = tpu.memref_slice %arg6[%dma_start3A_85] : memref<10000xi32, #tpu.memory_space<vmem>> -> memref<80xi32, #tpu.memory_space<vmem>>
    %dma_start3A_87 = arith.constant 0 : i32
    %dma_start3A_88 = arith.constant 0 : i32
    %dma_start3A_89 = tpu.memref_slice %arg2[%dma_start3A_87, %dma_start3A_88] : memref<10000x64xbf16, #tpu.memory_space<hbm>> -> memref<10000x64xbf16, #tpu.memory_space<hbm>>
    %dma_start3A_90 = tpu.memref_slice %arg11[%dma_start3A_80] : memref<5x!tpu.dma_semaphore, #tpu.memory_space<semaphore_mem>> -> memref<1x!tpu.dma_semaphore, #tpu.memory_space<semaphore_mem>>
    %dma_start3A_91 = tpu.memref_squeeze %dma_start3A_90 : memref<1x!tpu.dma_semaphore, #tpu.memory_space<semaphore_mem>> -> memref<!tpu.dma_semaphore, #tpu.memory_space<semaphore_mem>>
    tpu.enqueue_indirect_dma source(%dma_start3A_89 : memref<10000x64xbf16, #tpu.memory_space<hbm>>) target(%dma_start3A_84 : memref<80x64xbf16, #tpu.memory_space<vmem>>) offsets(%dma_start3A_86 : memref<80xi32, #tpu.memory_space<vmem>>) semaphore(%dma_start3A_91 : memref<!tpu.dma_semaphore, #tpu.memory_space<semaphore_mem>>)
    %dma_start3A_92 = arith.constant 3 : i32
    %dma_start3A_93 = arith.constant 3 : i32
    %dma_start3A_94 = arith.constant 0 : i32
    %dma_start3A_95 = arith.constant 0 : i32
    %dma_start3A_96 = tpu.memref_slice %arg8[%dma_start3A_92, %dma_start3A_94, %dma_start3A_95] : memref<5x80x64xbf16, #tpu.memory_space<vmem>> -> memref<1x80x64xbf16, #tpu.memory_space<vmem>>
    %dma_start3A_97 = tpu.memref_squeeze %dma_start3A_96 : memref<1x80x64xbf16, #tpu.memory_space<vmem>> -> memref<80x64xbf16, #tpu.memory_space<vmem>>
    %dma_start3A_98 = arith.constant 240 : i32
    %dma_start3A_99 = tpu.memref_slice %arg6[%dma_start3A_98] : memref<10000xi32, #tpu.memory_space<vmem>> -> memref<80xi32, #tpu.memory_space<vmem>>
    %dma_start3A_100 = arith.constant 0 : i32
    %dma_start3A_101 = arith.constant 0 : i32
    %dma_start3A_102 = tpu.memref_slice %arg2[%dma_start3A_100, %dma_start3A_101] : memref<10000x64xbf16, #tpu.memory_space<hbm>> -> memref<10000x64xbf16, #tpu.memory_space<hbm>>
    %dma_start3A_103 = tpu.memref_slice %arg11[%dma_start3A_93] : memref<5x!tpu.dma_semaphore, #tpu.memory_space<semaphore_mem>> -> memref<1x!tpu.dma_semaphore, #tpu.memory_space<semaphore_mem>>
    %dma_start3A_104 = tpu.memref_squeeze %dma_start3A_103 : memref<1x!tpu.dma_semaphore, #tpu.memory_space<semaphore_mem>> -> memref<!tpu.dma_semaphore, #tpu.memory_space<semaphore_mem>>
    tpu.enqueue_indirect_dma source(%dma_start3A_102 : memref<10000x64xbf16, #tpu.memory_space<hbm>>) target(%dma_start3A_97 : memref<80x64xbf16, #tpu.memory_space<vmem>>) offsets(%dma_start3A_99 : memref<80xi32, #tpu.memory_space<vmem>>) semaphore(%dma_start3A_104 : memref<!tpu.dma_semaphore, #tpu.memory_space<semaphore_mem>>)
    %dma_start3A_105 = arith.constant 4 : i32
    %dma_start3A_106 = arith.constant 4 : i32
    %dma_start3A_107 = arith.constant 0 : i32
    %dma_start3A_108 = arith.constant 0 : i32
    %dma_start3A_109 = tpu.memref_slice %arg8[%dma_start3A_105, %dma_start3A_107, %dma_start3A_108] : memref<5x80x64xbf16, #tpu.memory_space<vmem>> -> memref<1x80x64xbf16, #tpu.memory_space<vmem>>
    %dma_start3A_110 = tpu.memref_squeeze %dma_start3A_109 : memref<1x80x64xbf16, #tpu.memory_space<vmem>> -> memref<80x64xbf16, #tpu.memory_space<vmem>>
    %dma_start3A_111 = arith.constant 320 : i32
    %dma_start3A_112 = tpu.memref_slice %arg6[%dma_start3A_111] : memref<10000xi32, #tpu.memory_space<vmem>> -> memref<80xi32, #tpu.memory_space<vmem>>
    %dma_start3A_113 = arith.constant 0 : i32
    %dma_start3A_114 = arith.constant 0 : i32
    %dma_start3A_115 = tpu.memref_slice %arg2[%dma_start3A_113, %dma_start3A_114] : memref<10000x64xbf16, #tpu.memory_space<hbm>> -> memref<10000x64xbf16, #tpu.memory_space<hbm>>
    %dma_start3A_116 = tpu.memref_slice %arg11[%dma_start3A_106] : memref<5x!tpu.dma_semaphore, #tpu.memory_space<semaphore_mem>> -> memref<1x!tpu.dma_semaphore, #tpu.memory_space<semaphore_mem>>
    %dma_start3A_117 = tpu.memref_squeeze %dma_start3A_116 : memref<1x!tpu.dma_semaphore, #tpu.memory_space<semaphore_mem>> -> memref<!tpu.dma_semaphore, #tpu.memory_space<semaphore_mem>>
    tpu.enqueue_indirect_dma source(%dma_start3A_115 : memref<10000x64xbf16, #tpu.memory_space<hbm>>) target(%dma_start3A_110 : memref<80x64xbf16, #tpu.memory_space<vmem>>) offsets(%dma_start3A_112 : memref<80xi32, #tpu.memory_space<vmem>>) semaphore(%dma_start3A_117 : memref<!tpu.dma_semaphore, #tpu.memory_space<semaphore_mem>>)
    %scan3A = arith.constant 0 : i32
    %scan3A_118 = arith.constant 25 : i32
    %scan3A_119 = arith.addi %scan3A, %scan3A_118 : i32
    %scan3A_120 = arith.constant 1 : i32
    scf.for %scan3A_194 = %scan3A to %scan3A_119 step %scan3A_120  : i32 {
      %mul3A_195 = arith.constant 5 : i32
      %mul3A_196 = arith.muli %scan3A_194, %mul3A_195 : i32
      %add3A_197 = arith.constant 0 : i32
      %add3A_198 = arith.addi %add3A_197, %mul3A_196 : i32
      %add3A_199 = arith.constant 0 : i32
      %add3A_200 = arith.addi %add3A_198, %add3A_199 : i32
      %mul3A_201 = arith.constant 80 : i32
      %mul3A_202 = arith.muli %add3A_200, %mul3A_201 : i32
      %dma_wait3A_203 = arith.constant 0 : i32
      %dma_wait3A_204 = arith.constant 0 : i32
      %dma_wait3A_205 = arith.constant 0 : i32
      %dma_wait3A_206 = arith.constant 0 : i32
      %dma_wait3A_207 = tpu.memref_slice %arg8[%dma_wait3A_203, %dma_wait3A_205, %dma_wait3A_206] : memref<5x80x64xbf16, #tpu.memory_space<vmem>> -> memref<1x80x64xbf16, #tpu.memory_space<vmem>>
      %dma_wait3A_208 = tpu.memref_squeeze %dma_wait3A_207 : memref<1x80x64xbf16, #tpu.memory_space<vmem>> -> memref<80x64xbf16, #tpu.memory_space<vmem>>
      %dma_wait3A_209 = tpu.memref_slice %arg6[%mul3A_202] : memref<10000xi32, #tpu.memory_space<vmem>> -> memref<80xi32, #tpu.memory_space<vmem>>
      %dma_wait3A_210 = arith.constant 0 : i32
      %dma_wait3A_211 = arith.constant 0 : i32
      %dma_wait3A_212 = tpu.memref_slice %arg2[%dma_wait3A_210, %dma_wait3A_211] : memref<10000x64xbf16, #tpu.memory_space<hbm>> -> memref<10000x64xbf16, #tpu.memory_space<hbm>>
      %dma_wait3A_213 = tpu.memref_slice %arg11[%dma_wait3A_204] : memref<5x!tpu.dma_semaphore, #tpu.memory_space<semaphore_mem>> -> memref<1x!tpu.dma_semaphore, #tpu.memory_space<semaphore_mem>>
      %dma_wait3A_214 = tpu.memref_squeeze %dma_wait3A_213 : memref<1x!tpu.dma_semaphore, #tpu.memory_space<semaphore_mem>> -> memref<!tpu.dma_semaphore, #tpu.memory_space<semaphore_mem>>
      tpu.wait_indirect_dma semaphore(%dma_wait3A_214 : memref<!tpu.dma_semaphore, #tpu.memory_space<semaphore_mem>>) src(%dma_wait3A_212 : memref<10000x64xbf16, #tpu.memory_space<hbm>>) dst(%dma_wait3A_208 : memref<80x64xbf16, #tpu.memory_space<vmem>>)
      %add3A_215 = arith.constant 0 : i32
      %add3A_216 = arith.addi %add3A_198, %add3A_215 : i32
      %ge3A = arith.constant 5 : i32
      %ge3A_217 = arith.cmpi sge, %add3A_216, %ge3A : i32
      %convert_element_type3A = arith.extui %ge3A_217 : i1 to i32
      %cond3A = arith.constant 0 : i32
      %cond3A_218 = arith.cmpi ne, %convert_element_type3A, %cond3A : i32
      scf.if %cond3A_218 {
        %dma_wait3A_460 = arith.constant 0 : i32
        %dma_wait3A_461 = arith.constant 0 : i32
        %dma_wait3A_462 = arith.constant 0 : i32
        %dma_wait3A_463 = arith.constant 0 : i32
        %dma_wait3A_464 = tpu.memref_slice %arg9[%dma_wait3A_460, %dma_wait3A_462, %dma_wait3A_463] : memref<5x80x64xf32, #tpu.memory_space<vmem>> -> memref<1x80x64xf32, #tpu.memory_space<vmem>>
        %dma_wait3A_465 = tpu.memref_squeeze %dma_wait3A_464 : memref<1x80x64xf32, #tpu.memory_space<vmem>> -> memref<80x64xf32, #tpu.memory_space<vmem>>
        %dma_wait3A_466 = arith.constant 0 : i32
        %dma_wait3A_467 = tpu.memref_slice %arg7[%dma_wait3A_466] : memref<10000xi32, #tpu.memory_space<vmem>> -> memref<80xi32, #tpu.memory_space<vmem>>
        %dma_wait3A_468 = arith.constant 0 : i32
        %dma_wait3A_469 = arith.constant 0 : i32
        %dma_wait3A_470 = tpu.memref_slice %arg10[%dma_wait3A_468, %dma_wait3A_469] : memref<10112x64xf32, #tpu.memory_space<vmem_shared>> -> memref<10112x64xf32, #tpu.memory_space<vmem_shared>>
        %dma_wait3A_471 = tpu.memref_slice %arg12[%dma_wait3A_461] : memref<5x!tpu.dma_semaphore, #tpu.memory_space<semaphore_mem>> -> memref<1x!tpu.dma_semaphore, #tpu.memory_space<semaphore_mem>>
        %dma_wait3A_472 = tpu.memref_squeeze %dma_wait3A_471 : memref<1x!tpu.dma_semaphore, #tpu.memory_space<semaphore_mem>> -> memref<!tpu.dma_semaphore, #tpu.memory_space<semaphore_mem>>
        tpu.wait_indirect_dma semaphore(%dma_wait3A_472 : memref<!tpu.dma_semaphore, #tpu.memory_space<semaphore_mem>>) src(%dma_wait3A_465 : memref<80x64xf32, #tpu.memory_space<vmem>>) dst(%dma_wait3A_470 : memref<10112x64xf32, #tpu.memory_space<vmem_shared>>)
      } else {
      }
      %scan3A_219 = arith.constant 0 : i32
      %scan3A_220 = arith.constant 80 : i32
      %scan3A_221 = arith.addi %scan3A_219, %scan3A_220 : i32
      %scan3A_222 = arith.constant 1 : i32
      scf.for %scan3A_460 = %scan3A_219 to %scan3A_221 step %scan3A_222  : i32 {
        %mul3A_461 = arith.constant 1 : i32
        %mul3A_462 = arith.muli %scan3A_460, %mul3A_461 : i32
        %add3A_463 = arith.constant 0 : i32
        %add3A_464 = arith.addi %add3A_463, %mul3A_462 : i32
        %get3A = arith.constant 0 : i32
        %get3A_465 = arith.constant 0 : i32
        %get3A_466 = arith.constant 0 : i32
        %get3A_467 = tpu.memref_slice %arg8[%get3A, %get3A_465, %get3A_466] : memref<5x80x64xbf16, #tpu.memory_space<vmem>> -> memref<1x80x64xbf16, #tpu.memory_space<vmem>>
        %get3A_468 = tpu.memref_squeeze %get3A_467 : memref<1x80x64xbf16, #tpu.memory_space<vmem>> -> memref<80x64xbf16, #tpu.memory_space<vmem>>
        %get3A_469 = arith.index_cast %add3A_464 : i32 to index
        %get3A_470 = arith.constant 0 : index
        %get3A_471 = tpu.vector_load %get3A_468[%get3A_469, %get3A_470] {strides = array<i32>} : memref<80x64xbf16, #tpu.memory_space<vmem>>, vector<32xbf16>,
        %bitcast3A = vector.bitcast %get3A_471 : vector<32xbf16> to vector<16xi32>
        %shift_left3A = arith.constant 16 : i32
        %shift_left3A_472 = vector.broadcast %shift_left3A : i32 to vector<16xi32>
        %shift_left3A_473 = arith.shli %bitcast3A, %shift_left3A_472 : vector<16xi32>
        %bitcast3A_474 = vector.bitcast %shift_left3A_473 : vector<16xi32> to vector<16xf32>
        %and3A = arith.constant -65536 : i32
        %and3A_475 = vector.broadcast %and3A : i32 to vector<16xi32>
        %and3A_476 = arith.andi %bitcast3A, %and3A_475 : vector<16xi32>
        %bitcast3A_477 = vector.bitcast %and3A_476 : vector<16xi32> to vector<16xf32>
        %swap3A = arith.constant 0 : i32
        %swap3A_478 = arith.constant 0 : i32
        %swap3A_479 = arith.constant 0 : i32
        %swap3A_480 = tpu.memref_slice %arg9[%swap3A, %swap3A_478, %swap3A_479] : memref<5x80x64xf32, #tpu.memory_space<vmem>> -> memref<1x80x64xf32, #tpu.memory_space<vmem>>
        %swap3A_481 = tpu.memref_squeeze %swap3A_480 : memref<1x80x64xf32, #tpu.memory_space<vmem>> -> memref<80x64xf32, #tpu.memory_space<vmem>>
        %swap3A_482 = arith.index_cast %add3A_464 : i32 to index
        %swap3A_483 = arith.constant 0 : index
        %swap3A_484 = tpu.vector_load %swap3A_481[%swap3A_482, %swap3A_483] {strides = array<i32>} : memref<80x64xf32, #tpu.memory_space<vmem>>, vector<16xf32>,
        tpu.vector_store %swap3A_481[%swap3A_482, %swap3A_483], %bitcast3A_474 {strides = array<i32>} : memref<80x64xf32, #tpu.memory_space<vmem>>, vector<16xf32>,
        %swap3A_485 = arith.constant 0 : i32
        %swap3A_486 = arith.constant 0 : i32
        %swap3A_487 = arith.constant 0 : i32
        %swap3A_488 = tpu.memref_slice %arg9[%swap3A_485, %swap3A_486, %swap3A_487] : memref<5x80x64xf32, #tpu.memory_space<vmem>> -> memref<1x80x64xf32, #tpu.memory_space<vmem>>
        %swap3A_489 = tpu.memref_squeeze %swap3A_488 : memref<1x80x64xf32, #tpu.memory_space<vmem>> -> memref<80x64xf32, #tpu.memory_space<vmem>>
        %swap3A_490 = arith.index_cast %add3A_464 : i32 to index
        %swap3A_491 = arith.constant 16 : index
        %swap3A_492 = tpu.vector_load %swap3A_489[%swap3A_490, %swap3A_491] {strides = array<i32>} : memref<80x64xf32, #tpu.memory_space<vmem>>, vector<16xf32>,
        tpu.vector_store %swap3A_489[%swap3A_490, %swap3A_491], %bitcast3A_477 {strides = array<i32>} : memref<80x64xf32, #tpu.memory_space<vmem>>, vector<16xf32>,
        %get3A_493 = arith.constant 0 : i32
        %get3A_494 = arith.constant 0 : i32
        %get3A_495 = arith.constant 0 : i32
        %get3A_496 = tpu.memref_slice %arg8[%get3A_493, %get3A_494, %get3A_495] : memref<5x80x64xbf16, #tpu.memory_space<vmem>> -> memref<1x80x64xbf16, #tpu.memory_space<vmem>>
        %get3A_497 = tpu.memref_squeeze %get3A_496 : memref<1x80x64xbf16, #tpu.memory_space<vmem>> -> memref<80x64xbf16, #tpu.memory_space<vmem>>
        %get3A_498 = arith.index_cast %add3A_464 : i32 to index
        %get3A_499 = arith.constant 32 : index
        %get3A_500 = tpu.vector_load %get3A_497[%get3A_498, %get3A_499] {strides = array<i32>} : memref<80x64xbf16, #tpu.memory_space<vmem>>, vector<32xbf16>,
        %bitcast3A_501 = vector.bitcast %get3A_500 : vector<32xbf16> to vector<16xi32>
        %shift_left3A_502 = arith.constant 16 : i32
        %shift_left3A_503 = vector.broadcast %shift_left3A_502 : i32 to vector<16xi32>
        %shift_left3A_504 = arith.shli %bitcast3A_501, %shift_left3A_503 : vector<16xi32>
        %bitcast3A_505 = vector.bitcast %shift_left3A_504 : vector<16xi32> to vector<16xf32>
        %and3A_506 = arith.constant -65536 : i32
        %and3A_507 = vector.broadcast %and3A_506 : i32 to vector<16xi32>
        %and3A_508 = arith.andi %bitcast3A_501, %and3A_507 : vector<16xi32>
        %bitcast3A_509 = vector.bitcast %and3A_508 : vector<16xi32> to vector<16xf32>
        %swap3A_510 = arith.constant 0 : i32
        %swap3A_511 = arith.constant 0 : i32
        %swap3A_512 = arith.constant 0 : i32
        %swap3A_513 = tpu.memref_slice %arg9[%swap3A_510, %swap3A_511, %swap3A_512] : memref<5x80x64xf32, #tpu.memory_space<vmem>> -> memref<1x80x64xf32, #tpu.memory_space<vmem>>
        %swap3A_514 = tpu.memref_squeeze %swap3A_513 : memref<1x80x64xf32, #tpu.memory_space<vmem>> -> memref<80x64xf32, #tpu.memory_space<vmem>>
        %swap3A_515 = arith.index_cast %add3A_464 : i32 to index
        %swap3A_516 = arith.constant 32 : index
        %swap3A_517 = tpu.vector_load %swap3A_514[%swap3A_515, %swap3A_516] {strides = array<i32>} : memref<80x64xf32, #tpu.memory_space<vmem>>, vector<16xf32>,
        tpu.vector_store %swap3A_514[%swap3A_515, %swap3A_516], %bitcast3A_505 {strides = array<i32>} : memref<80x64xf32, #tpu.memory_space<vmem>>, vector<16xf32>,
        %swap3A_518 = arith.constant 0 : i32
        %swap3A_519 = arith.constant 0 : i32
        %swap3A_520 = arith.constant 0 : i32
        %swap3A_521 = tpu.memref_slice %arg9[%swap3A_518, %swap3A_519, %swap3A_520] : memref<5x80x64xf32, #tpu.memory_space<vmem>> -> memref<1x80x64xf32, #tpu.memory_space<vmem>>
        %swap3A_522 = tpu.memref_squeeze %swap3A_521 : memref<1x80x64xf32, #tpu.memory_space<vmem>> -> memref<80x64xf32, #tpu.memory_space<vmem>>
        %swap3A_523 = arith.index_cast %add3A_464 : i32 to index
        %swap3A_524 = arith.constant 48 : index
        %swap3A_525 = tpu.vector_load %swap3A_522[%swap3A_523, %swap3A_524] {strides = array<i32>} : memref<80x64xf32, #tpu.memory_space<vmem>>, vector<16xf32>,
        tpu.vector_store %swap3A_522[%swap3A_523, %swap3A_524], %bitcast3A_509 {strides = array<i32>} : memref<80x64xf32, #tpu.memory_space<vmem>>, vector<16xf32>,
      }
      %scan3A_223 = arith.constant 80 : i32
      %add3A_224 = arith.constant 0 : i32
      %add3A_225 = arith.addi %add3A_198, %add3A_224 : i32
      %mul3A_226 = arith.constant 80 : i32
      %mul3A_227 = arith.muli %add3A_225, %mul3A_226 : i32
      %dma_start3A_228 = arith.constant 0 : i32
      %dma_start3A_229 = arith.constant 0 : i32
      %dma_start3A_230 = arith.constant 0 : i32
      %dma_start3A_231 = arith.constant 0 : i32
      %dma_start3A_232 = tpu.memref_slice %arg9[%dma_start3A_228, %dma_start3A_230, %dma_start3A_231] : memref<5x80x64xf32, #tpu.memory_space<vmem>> -> memref<1x80x64xf32, #tpu.memory_space<vmem>>
      %dma_start3A_233 = tpu.memref_squeeze %dma_start3A_232 : memref<1x80x64xf32, #tpu.memory_space<vmem>> -> memref<80x64xf32, #tpu.memory_space<vmem>>
      %dma_start3A_234 = tpu.memref_slice %arg7[%mul3A_227] : memref<10000xi32, #tpu.memory_space<vmem>> -> memref<80xi32, #tpu.memory_space<vmem>>
      %dma_start3A_235 = arith.constant 0 : i32
      %dma_start3A_236 = arith.constant 0 : i32
      %dma_start3A_237 = tpu.memref_slice %arg10[%dma_start3A_235, %dma_start3A_236] : memref<10112x64xf32, #tpu.memory_space<vmem_shared>> -> memref<10112x64xf32, #tpu.memory_space<vmem_shared>>
      %dma_start3A_238 = tpu.memref_slice %arg12[%dma_start3A_229] : memref<5x!tpu.dma_semaphore, #tpu.memory_space<semaphore_mem>> -> memref<1x!tpu.dma_semaphore, #tpu.memory_space<semaphore_mem>>
      %dma_start3A_239 = tpu.memref_squeeze %dma_start3A_238 : memref<1x!tpu.dma_semaphore, #tpu.memory_space<semaphore_mem>> -> memref<!tpu.dma_semaphore, #tpu.memory_space<semaphore_mem>>
      tpu.enqueue_indirect_dma source(%dma_start3A_233 : memref<80x64xf32, #tpu.memory_space<vmem>>) target(%dma_start3A_237 : memref<10112x64xf32, #tpu.memory_space<vmem_shared>>) offsets(%dma_start3A_234 : memref<80xi32, #tpu.memory_space<vmem>>) semaphore(%dma_start3A_239 : memref<!tpu.dma_semaphore, #tpu.memory_space<semaphore_mem>>) {add = true}
      %add3A_240 = arith.constant 0 : i32
      %add3A_241 = arith.addi %add3A_198, %add3A_240 : i32
      %add3A_242 = arith.constant 5 : i32
      %add3A_243 = arith.addi %add3A_241, %add3A_242 : i32
      %lt3A = arith.constant 125 : i32
      %lt3A_244 = arith.cmpi slt, %add3A_243, %lt3A : i32
      %convert_element_type3A_245 = arith.extui %lt3A_244 : i1 to i32
      %cond3A_246 = arith.constant 0 : i32
      %cond3A_247 = arith.cmpi ne, %convert_element_type3A_245, %cond3A_246 : i32
      scf.if %cond3A_247 {
        %add3A_460 = arith.constant 0 : i32
        %add3A_461 = arith.addi %add3A_198, %add3A_460 : i32
        %add3A_462 = arith.constant 5 : i32
        %add3A_463 = arith.addi %add3A_461, %add3A_462 : i32
        %mul3A_464 = arith.constant 80 : i32
        %mul3A_465 = arith.muli %add3A_463, %mul3A_464 : i32
        %dma_start3A_466 = arith.constant 0 : i32
        %dma_start3A_467 = arith.constant 0 : i32
        %dma_start3A_468 = arith.constant 0 : i32
        %dma_start3A_469 = arith.constant 0 : i32
        %dma_start3A_470 = tpu.memref_slice %arg8[%dma_start3A_466, %dma_start3A_468, %dma_start3A_469] : memref<5x80x64xbf16, #tpu.memory_space<vmem>> -> memref<1x80x64xbf16, #tpu.memory_space<vmem>>
        %dma_start3A_471 = tpu.memref_squeeze %dma_start3A_470 : memref<1x80x64xbf16, #tpu.memory_space<vmem>> -> memref<80x64xbf16, #tpu.memory_space<vmem>>
        %dma_start3A_472 = tpu.memref_slice %arg6[%mul3A_465] : memref<10000xi32, #tpu.memory_space<vmem>> -> memref<80xi32, #tpu.memory_space<vmem>>
        %dma_start3A_473 = arith.constant 0 : i32
        %dma_start3A_474 = arith.constant 0 : i32
        %dma_start3A_475 = tpu.memref_slice %arg2[%dma_start3A_473, %dma_start3A_474] : memref<10000x64xbf16, #tpu.memory_space<hbm>> -> memref<10000x64xbf16, #tpu.memory_space<hbm>>
        %dma_start3A_476 = tpu.memref_slice %arg11[%dma_start3A_467] : memref<5x!tpu.dma_semaphore, #tpu.memory_space<semaphore_mem>> -> memref<1x!tpu.dma_semaphore, #tpu.memory_space<semaphore_mem>>
        %dma_start3A_477 = tpu.memref_squeeze %dma_start3A_476 : memref<1x!tpu.dma_semaphore, #tpu.memory_space<semaphore_mem>> -> memref<!tpu.dma_semaphore, #tpu.memory_space<semaphore_mem>>
        tpu.enqueue_indirect_dma source(%dma_start3A_475 : memref<10000x64xbf16, #tpu.memory_space<hbm>>) target(%dma_start3A_471 : memref<80x64xbf16, #tpu.memory_space<vmem>>) offsets(%dma_start3A_472 : memref<80xi32, #tpu.memory_space<vmem>>) semaphore(%dma_start3A_477 : memref<!tpu.dma_semaphore, #tpu.memory_space<semaphore_mem>>)
      } else {
      }
      %add3A_248 = arith.constant 1 : i32
      %add3A_249 = arith.addi %add3A_198, %add3A_248 : i32
      %mul3A_250 = arith.constant 80 : i32
      %mul3A_251 = arith.muli %add3A_249, %mul3A_250 : i32
      %dma_wait3A_252 = arith.constant 1 : i32
      %dma_wait3A_253 = arith.constant 1 : i32
      %dma_wait3A_254 = arith.constant 0 : i32
      %dma_wait3A_255 = arith.constant 0 : i32
      %dma_wait3A_256 = tpu.memref_slice %arg8[%dma_wait3A_252, %dma_wait3A_254, %dma_wait3A_255] : memref<5x80x64xbf16, #tpu.memory_space<vmem>> -> memref<1x80x64xbf16, #tpu.memory_space<vmem>>
      %dma_wait3A_257 = tpu.memref_squeeze %dma_wait3A_256 : memref<1x80x64xbf16, #tpu.memory_space<vmem>> -> memref<80x64xbf16, #tpu.memory_space<vmem>>
      %dma_wait3A_258 = tpu.memref_slice %arg6[%mul3A_251] : memref<10000xi32, #tpu.memory_space<vmem>> -> memref<80xi32, #tpu.memory_space<vmem>>
      %dma_wait3A_259 = arith.constant 0 : i32
      %dma_wait3A_260 = arith.constant 0 : i32
      %dma_wait3A_261 = tpu.memref_slice %arg2[%dma_wait3A_259, %dma_wait3A_260] : memref<10000x64xbf16, #tpu.memory_space<hbm>> -> memref<10000x64xbf16, #tpu.memory_space<hbm>>
      %dma_wait3A_262 = tpu.memref_slice %arg11[%dma_wait3A_253] : memref<5x!tpu.dma_semaphore, #tpu.memory_space<semaphore_mem>> -> memref<1x!tpu.dma_semaphore, #tpu.memory_space<semaphore_mem>>
      %dma_wait3A_263 = tpu.memref_squeeze %dma_wait3A_262 : memref<1x!tpu.dma_semaphore, #tpu.memory_space<semaphore_mem>> -> memref<!tpu.dma_semaphore, #tpu.memory_space<semaphore_mem>>
      tpu.wait_indirect_dma semaphore(%dma_wait3A_263 : memref<!tpu.dma_semaphore, #tpu.memory_space<semaphore_mem>>) src(%dma_wait3A_261 : memref<10000x64xbf16, #tpu.memory_space<hbm>>) dst(%dma_wait3A_257 : memref<80x64xbf16, #tpu.memory_space<vmem>>)
      %add3A_264 = arith.constant 1 : i32
      %add3A_265 = arith.addi %add3A_198, %add3A_264 : i32
      %ge3A_266 = arith.constant 5 : i32
      %ge3A_267 = arith.cmpi sge, %add3A_265, %ge3A_266 : i32
      %convert_element_type3A_268 = arith.extui %ge3A_267 : i1 to i32
      %cond3A_269 = arith.constant 0 : i32
      %cond3A_270 = arith.cmpi ne, %convert_element_type3A_268, %cond3A_269 : i32
      scf.if %cond3A_270 {
        %dma_wait3A_460 = arith.constant 1 : i32
        %dma_wait3A_461 = arith.constant 1 : i32
        %dma_wait3A_462 = arith.constant 0 : i32
        %dma_wait3A_463 = arith.constant 0 : i32
        %dma_wait3A_464 = tpu.memref_slice %arg9[%dma_wait3A_460, %dma_wait3A_462, %dma_wait3A_463] : memref<5x80x64xf32, #tpu.memory_space<vmem>> -> memref<1x80x64xf32, #tpu.memory_space<vmem>>
        %dma_wait3A_465 = tpu.memref_squeeze %dma_wait3A_464 : memref<1x80x64xf32, #tpu.memory_space<vmem>> -> memref<80x64xf32, #tpu.memory_space<vmem>>
        %dma_wait3A_466 = arith.constant 0 : i32
        %dma_wait3A_467 = tpu.memref_slice %arg7[%dma_wait3A_466] : memref<10000xi32, #tpu.memory_space<vmem>> -> memref<80xi32, #tpu.memory_space<vmem>>
        %dma_wait3A_468 = arith.constant 0 : i32
        %dma_wait3A_469 = arith.constant 0 : i32
        %dma_wait3A_470 = tpu.memref_slice %arg10[%dma_wait3A_468, %dma_wait3A_469] : memref<10112x64xf32, #tpu.memory_space<vmem_shared>> -> memref<10112x64xf32, #tpu.memory_space<vmem_shared>>
        %dma_wait3A_471 = tpu.memref_slice %arg12[%dma_wait3A_461] : memref<5x!tpu.dma_semaphore, #tpu.memory_space<semaphore_mem>> -> memref<1x!tpu.dma_semaphore, #tpu.memory_space<semaphore_mem>>
        %dma_wait3A_472 = tpu.memref_squeeze %dma_wait3A_471 : memref<1x!tpu.dma_semaphore, #tpu.memory_space<semaphore_mem>> -> memref<!tpu.dma_semaphore, #tpu.memory_space<semaphore_mem>>
        tpu.wait_indirect_dma semaphore(%dma_wait3A_472 : memref<!tpu.dma_semaphore, #tpu.memory_space<semaphore_mem>>) src(%dma_wait3A_465 : memref<80x64xf32, #tpu.memory_space<vmem>>) dst(%dma_wait3A_470 : memref<10112x64xf32, #tpu.memory_space<vmem_shared>>)
      } else {
      }
      %scan3A_271 = arith.constant 0 : i32
      %scan3A_272 = arith.constant 80 : i32
      %scan3A_273 = arith.addi %scan3A_271, %scan3A_272 : i32
      %scan3A_274 = arith.constant 1 : i32
      scf.for %scan3A_460 = %scan3A_271 to %scan3A_273 step %scan3A_274  : i32 {
        %mul3A_461 = arith.constant 1 : i32
        %mul3A_462 = arith.muli %scan3A_460, %mul3A_461 : i32
        %add3A_463 = arith.constant 0 : i32
        %add3A_464 = arith.addi %add3A_463, %mul3A_462 : i32
        %get3A = arith.constant 1 : i32
        %get3A_465 = arith.constant 0 : i32
        %get3A_466 = arith.constant 0 : i32
        %get3A_467 = tpu.memref_slice %arg8[%get3A, %get3A_465, %get3A_466] : memref<5x80x64xbf16, #tpu.memory_space<vmem>> -> memref<1x80x64xbf16, #tpu.memory_space<vmem>>
        %get3A_468 = tpu.memref_squeeze %get3A_467 : memref<1x80x64xbf16, #tpu.memory_space<vmem>> -> memref<80x64xbf16, #tpu.memory_space<vmem>>
        %get3A_469 = arith.index_cast %add3A_464 : i32 to index
        %get3A_470 = arith.constant 0 : index
        %get3A_471 = tpu.vector_load %get3A_468[%get3A_469, %get3A_470] {strides = array<i32>} : memref<80x64xbf16, #tpu.memory_space<vmem>>, vector<32xbf16>,
        %bitcast3A = vector.bitcast %get3A_471 : vector<32xbf16> to vector<16xi32>
        %shift_left3A = arith.constant 16 : i32
        %shift_left3A_472 = vector.broadcast %shift_left3A : i32 to vector<16xi32>
        %shift_left3A_473 = arith.shli %bitcast3A, %shift_left3A_472 : vector<16xi32>
        %bitcast3A_474 = vector.bitcast %shift_left3A_473 : vector<16xi32> to vector<16xf32>
        %and3A = arith.constant -65536 : i32
        %and3A_475 = vector.broadcast %and3A : i32 to vector<16xi32>
        %and3A_476 = arith.andi %bitcast3A, %and3A_475 : vector<16xi32>
        %bitcast3A_477 = vector.bitcast %and3A_476 : vector<16xi32> to vector<16xf32>
        %swap3A = arith.constant 1 : i32
        %swap3A_478 = arith.constant 0 : i32
        %swap3A_479 = arith.constant 0 : i32
        %swap3A_480 = tpu.memref_slice %arg9[%swap3A, %swap3A_478, %swap3A_479] : memref<5x80x64xf32, #tpu.memory_space<vmem>> -> memref<1x80x64xf32, #tpu.memory_space<vmem>>
        %swap3A_481 = tpu.memref_squeeze %swap3A_480 : memref<1x80x64xf32, #tpu.memory_space<vmem>> -> memref<80x64xf32, #tpu.memory_space<vmem>>
        %swap3A_482 = arith.index_cast %add3A_464 : i32 to index
        %swap3A_483 = arith.constant 0 : index
        %swap3A_484 = tpu.vector_load %swap3A_481[%swap3A_482, %swap3A_483] {strides = array<i32>} : memref<80x64xf32, #tpu.memory_space<vmem>>, vector<16xf32>,
        tpu.vector_store %swap3A_481[%swap3A_482, %swap3A_483], %bitcast3A_474 {strides = array<i32>} : memref<80x64xf32, #tpu.memory_space<vmem>>, vector<16xf32>,
        %swap3A_485 = arith.constant 1 : i32
        %swap3A_486 = arith.constant 0 : i32
        %swap3A_487 = arith.constant 0 : i32
        %swap3A_488 = tpu.memref_slice %arg9[%swap3A_485, %swap3A_486, %swap3A_487] : memref<5x80x64xf32, #tpu.memory_space<vmem>> -> memref<1x80x64xf32, #tpu.memory_space<vmem>>
        %swap3A_489 = tpu.memref_squeeze %swap3A_488 : memref<1x80x64xf32, #tpu.memory_space<vmem>> -> memref<80x64xf32, #tpu.memory_space<vmem>>
        %swap3A_490 = arith.index_cast %add3A_464 : i32 to index
        %swap3A_491 = arith.constant 16 : index
        %swap3A_492 = tpu.vector_load %swap3A_489[%swap3A_490, %swap3A_491] {strides = array<i32>} : memref<80x64xf32, #tpu.memory_space<vmem>>, vector<16xf32>,
        tpu.vector_store %swap3A_489[%swap3A_490, %swap3A_491], %bitcast3A_477 {strides = array<i32>} : memref<80x64xf32, #tpu.memory_space<vmem>>, vector<16xf32>,
        %get3A_493 = arith.constant 1 : i32
        %get3A_494 = arith.constant 0 : i32
        %get3A_495 = arith.constant 0 : i32
        %get3A_496 = tpu.memref_slice %arg8[%get3A_493, %get3A_494, %get3A_495] : memref<5x80x64xbf16, #tpu.memory_space<vmem>> -> memref<1x80x64xbf16, #tpu.memory_space<vmem>>
        %get3A_497 = tpu.memref_squeeze %get3A_496 : memref<1x80x64xbf16, #tpu.memory_space<vmem>> -> memref<80x64xbf16, #tpu.memory_space<vmem>>
        %get3A_498 = arith.index_cast %add3A_464 : i32 to index
        %get3A_499 = arith.constant 32 : index
        %get3A_500 = tpu.vector_load %get3A_497[%get3A_498, %get3A_499] {strides = array<i32>} : memref<80x64xbf16, #tpu.memory_space<vmem>>, vector<32xbf16>,
        %bitcast3A_501 = vector.bitcast %get3A_500 : vector<32xbf16> to vector<16xi32>
        %shift_left3A_502 = arith.constant 16 : i32
        %shift_left3A_503 = vector.broadcast %shift_left3A_502 : i32 to vector<16xi32>
        %shift_left3A_504 = arith.shli %bitcast3A_501, %shift_left3A_503 : vector<16xi32>
        %bitcast3A_505 = vector.bitcast %shift_left3A_504 : vector<16xi32> to vector<16xf32>
        %and3A_506 = arith.constant -65536 : i32
        %and3A_507 = vector.broadcast %and3A_506 : i32 to vector<16xi32>
        %and3A_508 = arith.andi %bitcast3A_501, %and3A_507 : vector<16xi32>
        %bitcast3A_509 = vector.bitcast %and3A_508 : vector<16xi32> to vector<16xf32>
        %swap3A_510 = arith.constant 1 : i32
        %swap3A_511 = arith.constant 0 : i32
        %swap3A_512 = arith.constant 0 : i32
        %swap3A_513 = tpu.memref_slice %arg9[%swap3A_510, %swap3A_511, %swap3A_512] : memref<5x80x64xf32, #tpu.memory_space<vmem>> -> memref<1x80x64xf32, #tpu.memory_space<vmem>>
        %swap3A_514 = tpu.memref_squeeze %swap3A_513 : memref<1x80x64xf32, #tpu.memory_space<vmem>> -> memref<80x64xf32, #tpu.memory_space<vmem>>
        %swap3A_515 = arith.index_cast %add3A_464 : i32 to index
        %swap3A_516 = arith.constant 32 : index
        %swap3A_517 = tpu.vector_load %swap3A_514[%swap3A_515, %swap3A_516] {strides = array<i32>} : memref<80x64xf32, #tpu.memory_space<vmem>>, vector<16xf32>,
        tpu.vector_store %swap3A_514[%swap3A_515, %swap3A_516], %bitcast3A_505 {strides = array<i32>} : memref<80x64xf32, #tpu.memory_space<vmem>>, vector<16xf32>,
        %swap3A_518 = arith.constant 1 : i32
        %swap3A_519 = arith.constant 0 : i32
        %swap3A_520 = arith.constant 0 : i32
        %swap3A_521 = tpu.memref_slice %arg9[%swap3A_518, %swap3A_519, %swap3A_520] : memref<5x80x64xf32, #tpu.memory_space<vmem>> -> memref<1x80x64xf32, #tpu.memory_space<vmem>>
        %swap3A_522 = tpu.memref_squeeze %swap3A_521 : memref<1x80x64xf32, #tpu.memory_space<vmem>> -> memref<80x64xf32, #tpu.memory_space<vmem>>
        %swap3A_523 = arith.index_cast %add3A_464 : i32 to index
        %swap3A_524 = arith.constant 48 : index
        %swap3A_525 = tpu.vector_load %swap3A_522[%swap3A_523, %swap3A_524] {strides = array<i32>} : memref<80x64xf32, #tpu.memory_space<vmem>>, vector<16xf32>,
        tpu.vector_store %swap3A_522[%swap3A_523, %swap3A_524], %bitcast3A_509 {strides = array<i32>} : memref<80x64xf32, #tpu.memory_space<vmem>>, vector<16xf32>,
      }
      %scan3A_275 = arith.constant 80 : i32
      %add3A_276 = arith.constant 1 : i32
      %add3A_277 = arith.addi %add3A_198, %add3A_276 : i32
      %mul3A_278 = arith.constant 80 : i32
      %mul3A_279 = arith.muli %add3A_277, %mul3A_278 : i32
      %dma_start3A_280 = arith.constant 1 : i32
      %dma_start3A_281 = arith.constant 1 : i32
      %dma_start3A_282 = arith.constant 0 : i32
      %dma_start3A_283 = arith.constant 0 : i32
      %dma_start3A_284 = tpu.memref_slice %arg9[%dma_start3A_280, %dma_start3A_282, %dma_start3A_283] : memref<5x80x64xf32, #tpu.memory_space<vmem>> -> memref<1x80x64xf32, #tpu.memory_space<vmem>>
      %dma_start3A_285 = tpu.memref_squeeze %dma_start3A_284 : memref<1x80x64xf32, #tpu.memory_space<vmem>> -> memref<80x64xf32, #tpu.memory_space<vmem>>
      %dma_start3A_286 = tpu.memref_slice %arg7[%mul3A_279] : memref<10000xi32, #tpu.memory_space<vmem>> -> memref<80xi32, #tpu.memory_space<vmem>>
      %dma_start3A_287 = arith.constant 0 : i32
      %dma_start3A_288 = arith.constant 0 : i32
      %dma_start3A_289 = tpu.memref_slice %arg10[%dma_start3A_287, %dma_start3A_288] : memref<10112x64xf32, #tpu.memory_space<vmem_shared>> -> memref<10112x64xf32, #tpu.memory_space<vmem_shared>>
      %dma_start3A_290 = tpu.memref_slice %arg12[%dma_start3A_281] : memref<5x!tpu.dma_semaphore, #tpu.memory_space<semaphore_mem>> -> memref<1x!tpu.dma_semaphore, #tpu.memory_space<semaphore_mem>>
      %dma_start3A_291 = tpu.memref_squeeze %dma_start3A_290 : memref<1x!tpu.dma_semaphore, #tpu.memory_space<semaphore_mem>> -> memref<!tpu.dma_semaphore, #tpu.memory_space<semaphore_mem>>
      tpu.enqueue_indirect_dma source(%dma_start3A_285 : memref<80x64xf32, #tpu.memory_space<vmem>>) target(%dma_start3A_289 : memref<10112x64xf32, #tpu.memory_space<vmem_shared>>) offsets(%dma_start3A_286 : memref<80xi32, #tpu.memory_space<vmem>>) semaphore(%dma_start3A_291 : memref<!tpu.dma_semaphore, #tpu.memory_space<semaphore_mem>>) {add = true}
      %add3A_292 = arith.constant 1 : i32
      %add3A_293 = arith.addi %add3A_198, %add3A_292 : i32
      %add3A_294 = arith.constant 5 : i32
      %add3A_295 = arith.addi %add3A_293, %add3A_294 : i32
      %lt3A_296 = arith.constant 125 : i32
      %lt3A_297 = arith.cmpi slt, %add3A_295, %lt3A_296 : i32
      %convert_element_type3A_298 = arith.extui %lt3A_297 : i1 to i32
      %cond3A_299 = arith.constant 0 : i32
      %cond3A_300 = arith.cmpi ne, %convert_element_type3A_298, %cond3A_299 : i32
      scf.if %cond3A_300 {
        %add3A_460 = arith.constant 1 : i32
        %add3A_461 = arith.addi %add3A_198, %add3A_460 : i32
        %add3A_462 = arith.constant 5 : i32
        %add3A_463 = arith.addi %add3A_461, %add3A_462 : i32
        %mul3A_464 = arith.constant 80 : i32
        %mul3A_465 = arith.muli %add3A_463, %mul3A_464 : i32
        %dma_start3A_466 = arith.constant 1 : i32
        %dma_start3A_467 = arith.constant 1 : i32
        %dma_start3A_468 = arith.constant 0 : i32
        %dma_start3A_469 = arith.constant 0 : i32
        %dma_start3A_470 = tpu.memref_slice %arg8[%dma_start3A_466, %dma_start3A_468, %dma_start3A_469] : memref<5x80x64xbf16, #tpu.memory_space<vmem>> -> memref<1x80x64xbf16, #tpu.memory_space<vmem>>
        %dma_start3A_471 = tpu.memref_squeeze %dma_start3A_470 : memref<1x80x64xbf16, #tpu.memory_space<vmem>> -> memref<80x64xbf16, #tpu.memory_space<vmem>>
        %dma_start3A_472 = tpu.memref_slice %arg6[%mul3A_465] : memref<10000xi32, #tpu.memory_space<vmem>> -> memref<80xi32, #tpu.memory_space<vmem>>
        %dma_start3A_473 = arith.constant 0 : i32
        %dma_start3A_474 = arith.constant 0 : i32
        %dma_start3A_475 = tpu.memref_slice %arg2[%dma_start3A_473, %dma_start3A_474] : memref<10000x64xbf16, #tpu.memory_space<hbm>> -> memref<10000x64xbf16, #tpu.memory_space<hbm>>
        %dma_start3A_476 = tpu.memref_slice %arg11[%dma_start3A_467] : memref<5x!tpu.dma_semaphore, #tpu.memory_space<semaphore_mem>> -> memref<1x!tpu.dma_semaphore, #tpu.memory_space<semaphore_mem>>
        %dma_start3A_477 = tpu.memref_squeeze %dma_start3A_476 : memref<1x!tpu.dma_semaphore, #tpu.memory_space<semaphore_mem>> -> memref<!tpu.dma_semaphore, #tpu.memory_space<semaphore_mem>>
        tpu.enqueue_indirect_dma source(%dma_start3A_475 : memref<10000x64xbf16, #tpu.memory_space<hbm>>) target(%dma_start3A_471 : memref<80x64xbf16, #tpu.memory_space<vmem>>) offsets(%dma_start3A_472 : memref<80xi32, #tpu.memory_space<vmem>>) semaphore(%dma_start3A_477 : memref<!tpu.dma_semaphore, #tpu.memory_space<semaphore_mem>>)
      } else {
      }
      %add3A_301 = arith.constant 2 : i32
      %add3A_302 = arith.addi %add3A_198, %add3A_301 : i32
      %mul3A_303 = arith.constant 80 : i32
      %mul3A_304 = arith.muli %add3A_302, %mul3A_303 : i32
      %dma_wait3A_305 = arith.constant 2 : i32
      %dma_wait3A_306 = arith.constant 2 : i32
      %dma_wait3A_307 = arith.constant 0 : i32
      %dma_wait3A_308 = arith.constant 0 : i32
      %dma_wait3A_309 = tpu.memref_slice %arg8[%dma_wait3A_305, %dma_wait3A_307, %dma_wait3A_308] : memref<5x80x64xbf16, #tpu.memory_space<vmem>> -> memref<1x80x64xbf16, #tpu.memory_space<vmem>>
      %dma_wait3A_310 = tpu.memref_squeeze %dma_wait3A_309 : memref<1x80x64xbf16, #tpu.memory_space<vmem>> -> memref<80x64xbf16, #tpu.memory_space<vmem>>
      %dma_wait3A_311 = tpu.memref_slice %arg6[%mul3A_304] : memref<10000xi32, #tpu.memory_space<vmem>> -> memref<80xi32, #tpu.memory_space<vmem>>
      %dma_wait3A_312 = arith.constant 0 : i32
      %dma_wait3A_313 = arith.constant 0 : i32
      %dma_wait3A_314 = tpu.memref_slice %arg2[%dma_wait3A_312, %dma_wait3A_313] : memref<10000x64xbf16, #tpu.memory_space<hbm>> -> memref<10000x64xbf16, #tpu.memory_space<hbm>>
      %dma_wait3A_315 = tpu.memref_slice %arg11[%dma_wait3A_306] : memref<5x!tpu.dma_semaphore, #tpu.memory_space<semaphore_mem>> -> memref<1x!tpu.dma_semaphore, #tpu.memory_space<semaphore_mem>>
      %dma_wait3A_316 = tpu.memref_squeeze %dma_wait3A_315 : memref<1x!tpu.dma_semaphore, #tpu.memory_space<semaphore_mem>> -> memref<!tpu.dma_semaphore, #tpu.memory_space<semaphore_mem>>
      tpu.wait_indirect_dma semaphore(%dma_wait3A_316 : memref<!tpu.dma_semaphore, #tpu.memory_space<semaphore_mem>>) src(%dma_wait3A_314 : memref<10000x64xbf16, #tpu.memory_space<hbm>>) dst(%dma_wait3A_310 : memref<80x64xbf16, #tpu.memory_space<vmem>>)
      %add3A_317 = arith.constant 2 : i32
      %add3A_318 = arith.addi %add3A_198, %add3A_317 : i32
      %ge3A_319 = arith.constant 5 : i32
      %ge3A_320 = arith.cmpi sge, %add3A_318, %ge3A_319 : i32
      %convert_element_type3A_321 = arith.extui %ge3A_320 : i1 to i32
      %cond3A_322 = arith.constant 0 : i32
      %cond3A_323 = arith.cmpi ne, %convert_element_type3A_321, %cond3A_322 : i32
      scf.if %cond3A_323 {
        %dma_wait3A_460 = arith.constant 2 : i32
        %dma_wait3A_461 = arith.constant 2 : i32
        %dma_wait3A_462 = arith.constant 0 : i32
        %dma_wait3A_463 = arith.constant 0 : i32
        %dma_wait3A_464 = tpu.memref_slice %arg9[%dma_wait3A_460, %dma_wait3A_462, %dma_wait3A_463] : memref<5x80x64xf32, #tpu.memory_space<vmem>> -> memref<1x80x64xf32, #tpu.memory_space<vmem>>
        %dma_wait3A_465 = tpu.memref_squeeze %dma_wait3A_464 : memref<1x80x64xf32, #tpu.memory_space<vmem>> -> memref<80x64xf32, #tpu.memory_space<vmem>>
        %dma_wait3A_466 = arith.constant 0 : i32
        %dma_wait3A_467 = tpu.memref_slice %arg7[%dma_wait3A_466] : memref<10000xi32, #tpu.memory_space<vmem>> -> memref<80xi32, #tpu.memory_space<vmem>>
        %dma_wait3A_468 = arith.constant 0 : i32
        %dma_wait3A_469 = arith.constant 0 : i32
        %dma_wait3A_470 = tpu.memref_slice %arg10[%dma_wait3A_468, %dma_wait3A_469] : memref<10112x64xf32, #tpu.memory_space<vmem_shared>> -> memref<10112x64xf32, #tpu.memory_space<vmem_shared>>
        %dma_wait3A_471 = tpu.memref_slice %arg12[%dma_wait3A_461] : memref<5x!tpu.dma_semaphore, #tpu.memory_space<semaphore_mem>> -> memref<1x!tpu.dma_semaphore, #tpu.memory_space<semaphore_mem>>
        %dma_wait3A_472 = tpu.memref_squeeze %dma_wait3A_471 : memref<1x!tpu.dma_semaphore, #tpu.memory_space<semaphore_mem>> -> memref<!tpu.dma_semaphore, #tpu.memory_space<semaphore_mem>>
        tpu.wait_indirect_dma semaphore(%dma_wait3A_472 : memref<!tpu.dma_semaphore, #tpu.memory_space<semaphore_mem>>) src(%dma_wait3A_465 : memref<80x64xf32, #tpu.memory_space<vmem>>) dst(%dma_wait3A_470 : memref<10112x64xf32, #tpu.memory_space<vmem_shared>>)
      } else {
      }
      %scan3A_324 = arith.constant 0 : i32
      %scan3A_325 = arith.constant 80 : i32
      %scan3A_326 = arith.addi %scan3A_324, %scan3A_325 : i32
      %scan3A_327 = arith.constant 1 : i32
      scf.for %scan3A_460 = %scan3A_324 to %scan3A_326 step %scan3A_327  : i32 {
        %mul3A_461 = arith.constant 1 : i32
        %mul3A_462 = arith.muli %scan3A_460, %mul3A_461 : i32
        %add3A_463 = arith.constant 0 : i32
        %add3A_464 = arith.addi %add3A_463, %mul3A_462 : i32
        %get3A = arith.constant 2 : i32
        %get3A_465 = arith.constant 0 : i32
        %get3A_466 = arith.constant 0 : i32
        %get3A_467 = tpu.memref_slice %arg8[%get3A, %get3A_465, %get3A_466] : memref<5x80x64xbf16, #tpu.memory_space<vmem>> -> memref<1x80x64xbf16, #tpu.memory_space<vmem>>
        %get3A_468 = tpu.memref_squeeze %get3A_467 : memref<1x80x64xbf16, #tpu.memory_space<vmem>> -> memref<80x64xbf16, #tpu.memory_space<vmem>>
        %get3A_469 = arith.index_cast %add3A_464 : i32 to index
        %get3A_470 = arith.constant 0 : index
        %get3A_471 = tpu.vector_load %get3A_468[%get3A_469, %get3A_470] {strides = array<i32>} : memref<80x64xbf16, #tpu.memory_space<vmem>>, vector<32xbf16>,
        %bitcast3A = vector.bitcast %get3A_471 : vector<32xbf16> to vector<16xi32>
        %shift_left3A = arith.constant 16 : i32
        %shift_left3A_472 = vector.broadcast %shift_left3A : i32 to vector<16xi32>
        %shift_left3A_473 = arith.shli %bitcast3A, %shift_left3A_472 : vector<16xi32>
        %bitcast3A_474 = vector.bitcast %shift_left3A_473 : vector<16xi32> to vector<16xf32>
        %and3A = arith.constant -65536 : i32
        %and3A_475 = vector.broadcast %and3A : i32 to vector<16xi32>
        %and3A_476 = arith.andi %bitcast3A, %and3A_475 : vector<16xi32>
        %bitcast3A_477 = vector.bitcast %and3A_476 : vector<16xi32> to vector<16xf32>
        %swap3A = arith.constant 2 : i32
        %swap3A_478 = arith.constant 0 : i32
        %swap3A_479 = arith.constant 0 : i32
        %swap3A_480 = tpu.memref_slice %arg9[%swap3A, %swap3A_478, %swap3A_479] : memref<5x80x64xf32, #tpu.memory_space<vmem>> -> memref<1x80x64xf32, #tpu.memory_space<vmem>>
        %swap3A_481 = tpu.memref_squeeze %swap3A_480 : memref<1x80x64xf32, #tpu.memory_space<vmem>> -> memref<80x64xf32, #tpu.memory_space<vmem>>
        %swap3A_482 = arith.index_cast %add3A_464 : i32 to index
        %swap3A_483 = arith.constant 0 : index
        %swap3A_484 = tpu.vector_load %swap3A_481[%swap3A_482, %swap3A_483] {strides = array<i32>} : memref<80x64xf32, #tpu.memory_space<vmem>>, vector<16xf32>,
        tpu.vector_store %swap3A_481[%swap3A_482, %swap3A_483], %bitcast3A_474 {strides = array<i32>} : memref<80x64xf32, #tpu.memory_space<vmem>>, vector<16xf32>,
        %swap3A_485 = arith.constant 2 : i32
        %swap3A_486 = arith.constant 0 : i32
        %swap3A_487 = arith.constant 0 : i32
        %swap3A_488 = tpu.memref_slice %arg9[%swap3A_485, %swap3A_486, %swap3A_487] : memref<5x80x64xf32, #tpu.memory_space<vmem>> -> memref<1x80x64xf32, #tpu.memory_space<vmem>>
        %swap3A_489 = tpu.memref_squeeze %swap3A_488 : memref<1x80x64xf32, #tpu.memory_space<vmem>> -> memref<80x64xf32, #tpu.memory_space<vmem>>
        %swap3A_490 = arith.index_cast %add3A_464 : i32 to index
        %swap3A_491 = arith.constant 16 : index
        %swap3A_492 = tpu.vector_load %swap3A_489[%swap3A_490, %swap3A_491] {strides = array<i32>} : memref<80x64xf32, #tpu.memory_space<vmem>>, vector<16xf32>,
        tpu.vector_store %swap3A_489[%swap3A_490, %swap3A_491], %bitcast3A_477 {strides = array<i32>} : memref<80x64xf32, #tpu.memory_space<vmem>>, vector<16xf32>,
        %get3A_493 = arith.constant 2 : i32
        %get3A_494 = arith.constant 0 : i32
        %get3A_495 = arith.constant 0 : i32
        %get3A_496 = tpu.memref_slice %arg8[%get3A_493, %get3A_494, %get3A_495] : memref<5x80x64xbf16, #tpu.memory_space<vmem>> -> memref<1x80x64xbf16, #tpu.memory_space<vmem>>
        %get3A_497 = tpu.memref_squeeze %get3A_496 : memref<1x80x64xbf16, #tpu.memory_space<vmem>> -> memref<80x64xbf16, #tpu.memory_space<vmem>>
        %get3A_498 = arith.index_cast %add3A_464 : i32 to index
        %get3A_499 = arith.constant 32 : index
        %get3A_500 = tpu.vector_load %get3A_497[%get3A_498, %get3A_499] {strides = array<i32>} : memref<80x64xbf16, #tpu.memory_space<vmem>>, vector<32xbf16>,
        %bitcast3A_501 = vector.bitcast %get3A_500 : vector<32xbf16> to vector<16xi32>
        %shift_left3A_502 = arith.constant 16 : i32
        %shift_left3A_503 = vector.broadcast %shift_left3A_502 : i32 to vector<16xi32>
        %shift_left3A_504 = arith.shli %bitcast3A_501, %shift_left3A_503 : vector<16xi32>
        %bitcast3A_505 = vector.bitcast %shift_left3A_504 : vector<16xi32> to vector<16xf32>
        %and3A_506 = arith.constant -65536 : i32
        %and3A_507 = vector.broadcast %and3A_506 : i32 to vector<16xi32>
        %and3A_508 = arith.andi %bitcast3A_501, %and3A_507 : vector<16xi32>
        %bitcast3A_509 = vector.bitcast %and3A_508 : vector<16xi32> to vector<16xf32>
        %swap3A_510 = arith.constant 2 : i32
        %swap3A_511 = arith.constant 0 : i32
        %swap3A_512 = arith.constant 0 : i32
        %swap3A_513 = tpu.memref_slice %arg9[%swap3A_510, %swap3A_511, %swap3A_512] : memref<5x80x64xf32, #tpu.memory_space<vmem>> -> memref<1x80x64xf32, #tpu.memory_space<vmem>>
        %swap3A_514 = tpu.memref_squeeze %swap3A_513 : memref<1x80x64xf32, #tpu.memory_space<vmem>> -> memref<80x64xf32, #tpu.memory_space<vmem>>
        %swap3A_515 = arith.index_cast %add3A_464 : i32 to index
        %swap3A_516 = arith.constant 32 : index
        %swap3A_517 = tpu.vector_load %swap3A_514[%swap3A_515, %swap3A_516] {strides = array<i32>} : memref<80x64xf32, #tpu.memory_space<vmem>>, vector<16xf32>,
        tpu.vector_store %swap3A_514[%swap3A_515, %swap3A_516], %bitcast3A_505 {strides = array<i32>} : memref<80x64xf32, #tpu.memory_space<vmem>>, vector<16xf32>,
        %swap3A_518 = arith.constant 2 : i32
        %swap3A_519 = arith.constant 0 : i32
        %swap3A_520 = arith.constant 0 : i32
        %swap3A_521 = tpu.memref_slice %arg9[%swap3A_518, %swap3A_519, %swap3A_520] : memref<5x80x64xf32, #tpu.memory_space<vmem>> -> memref<1x80x64xf32, #tpu.memory_space<vmem>>
        %swap3A_522 = tpu.memref_squeeze %swap3A_521 : memref<1x80x64xf32, #tpu.memory_space<vmem>> -> memref<80x64xf32, #tpu.memory_space<vmem>>
        %swap3A_523 = arith.index_cast %add3A_464 : i32 to index
        %swap3A_524 = arith.constant 48 : index
        %swap3A_525 = tpu.vector_load %swap3A_522[%swap3A_523, %swap3A_524] {strides = array<i32>} : memref<80x64xf32, #tpu.memory_space<vmem>>, vector<16xf32>,
        tpu.vector_store %swap3A_522[%swap3A_523, %swap3A_524], %bitcast3A_509 {strides = array<i32>} : memref<80x64xf32, #tpu.memory_space<vmem>>, vector<16xf32>,
      }
      %scan3A_328 = arith.constant 80 : i32
      %add3A_329 = arith.constant 2 : i32
      %add3A_330 = arith.addi %add3A_198, %add3A_329 : i32
      %mul3A_331 = arith.constant 80 : i32
      %mul3A_332 = arith.muli %add3A_330, %mul3A_331 : i32
      %dma_start3A_333 = arith.constant 2 : i32
      %dma_start3A_334 = arith.constant 2 : i32
      %dma_start3A_335 = arith.constant 0 : i32
      %dma_start3A_336 = arith.constant 0 : i32
      %dma_start3A_337 = tpu.memref_slice %arg9[%dma_start3A_333, %dma_start3A_335, %dma_start3A_336] : memref<5x80x64xf32, #tpu.memory_space<vmem>> -> memref<1x80x64xf32, #tpu.memory_space<vmem>>
      %dma_start3A_338 = tpu.memref_squeeze %dma_start3A_337 : memref<1x80x64xf32, #tpu.memory_space<vmem>> -> memref<80x64xf32, #tpu.memory_space<vmem>>
      %dma_start3A_339 = tpu.memref_slice %arg7[%mul3A_332] : memref<10000xi32, #tpu.memory_space<vmem>> -> memref<80xi32, #tpu.memory_space<vmem>>
      %dma_start3A_340 = arith.constant 0 : i32
      %dma_start3A_341 = arith.constant 0 : i32
      %dma_start3A_342 = tpu.memref_slice %arg10[%dma_start3A_340, %dma_start3A_341] : memref<10112x64xf32, #tpu.memory_space<vmem_shared>> -> memref<10112x64xf32, #tpu.memory_space<vmem_shared>>
      %dma_start3A_343 = tpu.memref_slice %arg12[%dma_start3A_334] : memref<5x!tpu.dma_semaphore, #tpu.memory_space<semaphore_mem>> -> memref<1x!tpu.dma_semaphore, #tpu.memory_space<semaphore_mem>>
      %dma_start3A_344 = tpu.memref_squeeze %dma_start3A_343 : memref<1x!tpu.dma_semaphore, #tpu.memory_space<semaphore_mem>> -> memref<!tpu.dma_semaphore, #tpu.memory_space<semaphore_mem>>
      tpu.enqueue_indirect_dma source(%dma_start3A_338 : memref<80x64xf32, #tpu.memory_space<vmem>>) target(%dma_start3A_342 : memref<10112x64xf32, #tpu.memory_space<vmem_shared>>) offsets(%dma_start3A_339 : memref<80xi32, #tpu.memory_space<vmem>>) semaphore(%dma_start3A_344 : memref<!tpu.dma_semaphore, #tpu.memory_space<semaphore_mem>>) {add = true}
      %add3A_345 = arith.constant 2 : i32
      %add3A_346 = arith.addi %add3A_198, %add3A_345 : i32
      %add3A_347 = arith.constant 5 : i32
      %add3A_348 = arith.addi %add3A_346, %add3A_347 : i32
      %lt3A_349 = arith.constant 125 : i32
      %lt3A_350 = arith.cmpi slt, %add3A_348, %lt3A_349 : i32
      %convert_element_type3A_351 = arith.extui %lt3A_350 : i1 to i32
      %cond3A_352 = arith.constant 0 : i32
      %cond3A_353 = arith.cmpi ne, %convert_element_type3A_351, %cond3A_352 : i32
      scf.if %cond3A_353 {
        %add3A_460 = arith.constant 2 : i32
        %add3A_461 = arith.addi %add3A_198, %add3A_460 : i32
        %add3A_462 = arith.constant 5 : i32
        %add3A_463 = arith.addi %add3A_461, %add3A_462 : i32
        %mul3A_464 = arith.constant 80 : i32
        %mul3A_465 = arith.muli %add3A_463, %mul3A_464 : i32
        %dma_start3A_466 = arith.constant 2 : i32
        %dma_start3A_467 = arith.constant 2 : i32
        %dma_start3A_468 = arith.constant 0 : i32
        %dma_start3A_469 = arith.constant 0 : i32
        %dma_start3A_470 = tpu.memref_slice %arg8[%dma_start3A_466, %dma_start3A_468, %dma_start3A_469] : memref<5x80x64xbf16, #tpu.memory_space<vmem>> -> memref<1x80x64xbf16, #tpu.memory_space<vmem>>
        %dma_start3A_471 = tpu.memref_squeeze %dma_start3A_470 : memref<1x80x64xbf16, #tpu.memory_space<vmem>> -> memref<80x64xbf16, #tpu.memory_space<vmem>>
        %dma_start3A_472 = tpu.memref_slice %arg6[%mul3A_465] : memref<10000xi32, #tpu.memory_space<vmem>> -> memref<80xi32, #tpu.memory_space<vmem>>
        %dma_start3A_473 = arith.constant 0 : i32
        %dma_start3A_474 = arith.constant 0 : i32
        %dma_start3A_475 = tpu.memref_slice %arg2[%dma_start3A_473, %dma_start3A_474] : memref<10000x64xbf16, #tpu.memory_space<hbm>> -> memref<10000x64xbf16, #tpu.memory_space<hbm>>
        %dma_start3A_476 = tpu.memref_slice %arg11[%dma_start3A_467] : memref<5x!tpu.dma_semaphore, #tpu.memory_space<semaphore_mem>> -> memref<1x!tpu.dma_semaphore, #tpu.memory_space<semaphore_mem>>
        %dma_start3A_477 = tpu.memref_squeeze %dma_start3A_476 : memref<1x!tpu.dma_semaphore, #tpu.memory_space<semaphore_mem>> -> memref<!tpu.dma_semaphore, #tpu.memory_space<semaphore_mem>>
        tpu.enqueue_indirect_dma source(%dma_start3A_475 : memref<10000x64xbf16, #tpu.memory_space<hbm>>) target(%dma_start3A_471 : memref<80x64xbf16, #tpu.memory_space<vmem>>) offsets(%dma_start3A_472 : memref<80xi32, #tpu.memory_space<vmem>>) semaphore(%dma_start3A_477 : memref<!tpu.dma_semaphore, #tpu.memory_space<semaphore_mem>>)
      } else {
      }
      %add3A_354 = arith.constant 3 : i32
      %add3A_355 = arith.addi %add3A_198, %add3A_354 : i32
      %mul3A_356 = arith.constant 80 : i32
      %mul3A_357 = arith.muli %add3A_355, %mul3A_356 : i32
      %dma_wait3A_358 = arith.constant 3 : i32
      %dma_wait3A_359 = arith.constant 3 : i32
      %dma_wait3A_360 = arith.constant 0 : i32
      %dma_wait3A_361 = arith.constant 0 : i32
      %dma_wait3A_362 = tpu.memref_slice %arg8[%dma_wait3A_358, %dma_wait3A_360, %dma_wait3A_361] : memref<5x80x64xbf16, #tpu.memory_space<vmem>> -> memref<1x80x64xbf16, #tpu.memory_space<vmem>>
      %dma_wait3A_363 = tpu.memref_squeeze %dma_wait3A_362 : memref<1x80x64xbf16, #tpu.memory_space<vmem>> -> memref<80x64xbf16, #tpu.memory_space<vmem>>
      %dma_wait3A_364 = tpu.memref_slice %arg6[%mul3A_357] : memref<10000xi32, #tpu.memory_space<vmem>> -> memref<80xi32, #tpu.memory_space<vmem>>
      %dma_wait3A_365 = arith.constant 0 : i32
      %dma_wait3A_366 = arith.constant 0 : i32
      %dma_wait3A_367 = tpu.memref_slice %arg2[%dma_wait3A_365, %dma_wait3A_366] : memref<10000x64xbf16, #tpu.memory_space<hbm>> -> memref<10000x64xbf16, #tpu.memory_space<hbm>>
      %dma_wait3A_368 = tpu.memref_slice %arg11[%dma_wait3A_359] : memref<5x!tpu.dma_semaphore, #tpu.memory_space<semaphore_mem>> -> memref<1x!tpu.dma_semaphore, #tpu.memory_space<semaphore_mem>>
      %dma_wait3A_369 = tpu.memref_squeeze %dma_wait3A_368 : memref<1x!tpu.dma_semaphore, #tpu.memory_space<semaphore_mem>> -> memref<!tpu.dma_semaphore, #tpu.memory_space<semaphore_mem>>
      tpu.wait_indirect_dma semaphore(%dma_wait3A_369 : memref<!tpu.dma_semaphore, #tpu.memory_space<semaphore_mem>>) src(%dma_wait3A_367 : memref<10000x64xbf16, #tpu.memory_space<hbm>>) dst(%dma_wait3A_363 : memref<80x64xbf16, #tpu.memory_space<vmem>>)
      %add3A_370 = arith.constant 3 : i32
      %add3A_371 = arith.addi %add3A_198, %add3A_370 : i32
      %ge3A_372 = arith.constant 5 : i32
      %ge3A_373 = arith.cmpi sge, %add3A_371, %ge3A_372 : i32
      %convert_element_type3A_374 = arith.extui %ge3A_373 : i1 to i32
      %cond3A_375 = arith.constant 0 : i32
      %cond3A_376 = arith.cmpi ne, %convert_element_type3A_374, %cond3A_375 : i32
      scf.if %cond3A_376 {
        %dma_wait3A_460 = arith.constant 3 : i32
        %dma_wait3A_461 = arith.constant 3 : i32
        %dma_wait3A_462 = arith.constant 0 : i32
        %dma_wait3A_463 = arith.constant 0 : i32
        %dma_wait3A_464 = tpu.memref_slice %arg9[%dma_wait3A_460, %dma_wait3A_462, %dma_wait3A_463] : memref<5x80x64xf32, #tpu.memory_space<vmem>> -> memref<1x80x64xf32, #tpu.memory_space<vmem>>
        %dma_wait3A_465 = tpu.memref_squeeze %dma_wait3A_464 : memref<1x80x64xf32, #tpu.memory_space<vmem>> -> memref<80x64xf32, #tpu.memory_space<vmem>>
        %dma_wait3A_466 = arith.constant 0 : i32
        %dma_wait3A_467 = tpu.memref_slice %arg7[%dma_wait3A_466] : memref<10000xi32, #tpu.memory_space<vmem>> -> memref<80xi32, #tpu.memory_space<vmem>>
        %dma_wait3A_468 = arith.constant 0 : i32
        %dma_wait3A_469 = arith.constant 0 : i32
        %dma_wait3A_470 = tpu.memref_slice %arg10[%dma_wait3A_468, %dma_wait3A_469] : memref<10112x64xf32, #tpu.memory_space<vmem_shared>> -> memref<10112x64xf32, #tpu.memory_space<vmem_shared>>
        %dma_wait3A_471 = tpu.memref_slice %arg12[%dma_wait3A_461] : memref<5x!tpu.dma_semaphore, #tpu.memory_space<semaphore_mem>> -> memref<1x!tpu.dma_semaphore, #tpu.memory_space<semaphore_mem>>
        %dma_wait3A_472 = tpu.memref_squeeze %dma_wait3A_471 : memref<1x!tpu.dma_semaphore, #tpu.memory_space<semaphore_mem>> -> memref<!tpu.dma_semaphore, #tpu.memory_space<semaphore_mem>>
        tpu.wait_indirect_dma semaphore(%dma_wait3A_472 : memref<!tpu.dma_semaphore, #tpu.memory_space<semaphore_mem>>) src(%dma_wait3A_465 : memref<80x64xf32, #tpu.memory_space<vmem>>) dst(%dma_wait3A_470 : memref<10112x64xf32, #tpu.memory_space<vmem_shared>>)
      } else {
      }
      %scan3A_377 = arith.constant 0 : i32
      %scan3A_378 = arith.constant 80 : i32
      %scan3A_379 = arith.addi %scan3A_377, %scan3A_378 : i32
      %scan3A_380 = arith.constant 1 : i32
      scf.for %scan3A_460 = %scan3A_377 to %scan3A_379 step %scan3A_380  : i32 {
        %mul3A_461 = arith.constant 1 : i32
        %mul3A_462 = arith.muli %scan3A_460, %mul3A_461 : i32
        %add3A_463 = arith.constant 0 : i32
        %add3A_464 = arith.addi %add3A_463, %mul3A_462 : i32
        %get3A = arith.constant 3 : i32
        %get3A_465 = arith.constant 0 : i32
        %get3A_466 = arith.constant 0 : i32
        %get3A_467 = tpu.memref_slice %arg8[%get3A, %get3A_465, %get3A_466] : memref<5x80x64xbf16, #tpu.memory_space<vmem>> -> memref<1x80x64xbf16, #tpu.memory_space<vmem>>
        %get3A_468 = tpu.memref_squeeze %get3A_467 : memref<1x80x64xbf16, #tpu.memory_space<vmem>> -> memref<80x64xbf16, #tpu.memory_space<vmem>>
        %get3A_469 = arith.index_cast %add3A_464 : i32 to index
        %get3A_470 = arith.constant 0 : index
        %get3A_471 = tpu.vector_load %get3A_468[%get3A_469, %get3A_470] {strides = array<i32>} : memref<80x64xbf16, #tpu.memory_space<vmem>>, vector<32xbf16>,
        %bitcast3A = vector.bitcast %get3A_471 : vector<32xbf16> to vector<16xi32>
        %shift_left3A = arith.constant 16 : i32
        %shift_left3A_472 = vector.broadcast %shift_left3A : i32 to vector<16xi32>
        %shift_left3A_473 = arith.shli %bitcast3A, %shift_left3A_472 : vector<16xi32>
        %bitcast3A_474 = vector.bitcast %shift_left3A_473 : vector<16xi32> to vector<16xf32>
        %and3A = arith.constant -65536 : i32
        %and3A_475 = vector.broadcast %and3A : i32 to vector<16xi32>
        %and3A_476 = arith.andi %bitcast3A, %and3A_475 : vector<16xi32>
        %bitcast3A_477 = vector.bitcast %and3A_476 : vector<16xi32> to vector<16xf32>
        %swap3A = arith.constant 3 : i32
        %swap3A_478 = arith.constant 0 : i32
        %swap3A_479 = arith.constant 0 : i32
        %swap3A_480 = tpu.memref_slice %arg9[%swap3A, %swap3A_478, %swap3A_479] : memref<5x80x64xf32, #tpu.memory_space<vmem>> -> memref<1x80x64xf32, #tpu.memory_space<vmem>>
        %swap3A_481 = tpu.memref_squeeze %swap3A_480 : memref<1x80x64xf32, #tpu.memory_space<vmem>> -> memref<80x64xf32, #tpu.memory_space<vmem>>
        %swap3A_482 = arith.index_cast %add3A_464 : i32 to index
        %swap3A_483 = arith.constant 0 : index
        %swap3A_484 = tpu.vector_load %swap3A_481[%swap3A_482, %swap3A_483] {strides = array<i32>} : memref<80x64xf32, #tpu.memory_space<vmem>>, vector<16xf32>,
        tpu.vector_store %swap3A_481[%swap3A_482, %swap3A_483], %bitcast3A_474 {strides = array<i32>} : memref<80x64xf32, #tpu.memory_space<vmem>>, vector<16xf32>,
        %swap3A_485 = arith.constant 3 : i32
        %swap3A_486 = arith.constant 0 : i32
        %swap3A_487 = arith.constant 0 : i32
        %swap3A_488 = tpu.memref_slice %arg9[%swap3A_485, %swap3A_486, %swap3A_487] : memref<5x80x64xf32, #tpu.memory_space<vmem>> -> memref<1x80x64xf32, #tpu.memory_space<vmem>>
        %swap3A_489 = tpu.memref_squeeze %swap3A_488 : memref<1x80x64xf32, #tpu.memory_space<vmem>> -> memref<80x64xf32, #tpu.memory_space<vmem>>
        %swap3A_490 = arith.index_cast %add3A_464 : i32 to index
        %swap3A_491 = arith.constant 16 : index
        %swap3A_492 = tpu.vector_load %swap3A_489[%swap3A_490, %swap3A_491] {strides = array<i32>} : memref<80x64xf32, #tpu.memory_space<vmem>>, vector<16xf32>,
        tpu.vector_store %swap3A_489[%swap3A_490, %swap3A_491], %bitcast3A_477 {strides = array<i32>} : memref<80x64xf32, #tpu.memory_space<vmem>>, vector<16xf32>,
        %get3A_493 = arith.constant 3 : i32
        %get3A_494 = arith.constant 0 : i32
        %get3A_495 = arith.constant 0 : i32
        %get3A_496 = tpu.memref_slice %arg8[%get3A_493, %get3A_494, %get3A_495] : memref<5x80x64xbf16, #tpu.memory_space<vmem>> -> memref<1x80x64xbf16, #tpu.memory_space<vmem>>
        %get3A_497 = tpu.memref_squeeze %get3A_496 : memref<1x80x64xbf16, #tpu.memory_space<vmem>> -> memref<80x64xbf16, #tpu.memory_space<vmem>>
        %get3A_498 = arith.index_cast %add3A_464 : i32 to index
        %get3A_499 = arith.constant 32 : index
        %get3A_500 = tpu.vector_load %get3A_497[%get3A_498, %get3A_499] {strides = array<i32>} : memref<80x64xbf16, #tpu.memory_space<vmem>>, vector<32xbf16>,
        %bitcast3A_501 = vector.bitcast %get3A_500 : vector<32xbf16> to vector<16xi32>
        %shift_left3A_502 = arith.constant 16 : i32
        %shift_left3A_503 = vector.broadcast %shift_left3A_502 : i32 to vector<16xi32>
        %shift_left3A_504 = arith.shli %bitcast3A_501, %shift_left3A_503 : vector<16xi32>
        %bitcast3A_505 = vector.bitcast %shift_left3A_504 : vector<16xi32> to vector<16xf32>
        %and3A_506 = arith.constant -65536 : i32
        %and3A_507 = vector.broadcast %and3A_506 : i32 to vector<16xi32>
        %and3A_508 = arith.andi %bitcast3A_501, %and3A_507 : vector<16xi32>
        %bitcast3A_509 = vector.bitcast %and3A_508 : vector<16xi32> to vector<16xf32>
        %swap3A_510 = arith.constant 3 : i32
        %swap3A_511 = arith.constant 0 : i32
        %swap3A_512 = arith.constant 0 : i32
        %swap3A_513 = tpu.memref_slice %arg9[%swap3A_510, %swap3A_511, %swap3A_512] : memref<5x80x64xf32, #tpu.memory_space<vmem>> -> memref<1x80x64xf32, #tpu.memory_space<vmem>>
        %swap3A_514 = tpu.memref_squeeze %swap3A_513 : memref<1x80x64xf32, #tpu.memory_space<vmem>> -> memref<80x64xf32, #tpu.memory_space<vmem>>
        %swap3A_515 = arith.index_cast %add3A_464 : i32 to index
        %swap3A_516 = arith.constant 32 : index
        %swap3A_517 = tpu.vector_load %swap3A_514[%swap3A_515, %swap3A_516] {strides = array<i32>} : memref<80x64xf32, #tpu.memory_space<vmem>>, vector<16xf32>,
        tpu.vector_store %swap3A_514[%swap3A_515, %swap3A_516], %bitcast3A_505 {strides = array<i32>} : memref<80x64xf32, #tpu.memory_space<vmem>>, vector<16xf32>,
        %swap3A_518 = arith.constant 3 : i32
        %swap3A_519 = arith.constant 0 : i32
        %swap3A_520 = arith.constant 0 : i32
        %swap3A_521 = tpu.memref_slice %arg9[%swap3A_518, %swap3A_519, %swap3A_520] : memref<5x80x64xf32, #tpu.memory_space<vmem>> -> memref<1x80x64xf32, #tpu.memory_space<vmem>>
        %swap3A_522 = tpu.memref_squeeze %swap3A_521 : memref<1x80x64xf32, #tpu.memory_space<vmem>> -> memref<80x64xf32, #tpu.memory_space<vmem>>
        %swap3A_523 = arith.index_cast %add3A_464 : i32 to index
        %swap3A_524 = arith.constant 48 : index
        %swap3A_525 = tpu.vector_load %swap3A_522[%swap3A_523, %swap3A_524] {strides = array<i32>} : memref<80x64xf32, #tpu.memory_space<vmem>>, vector<16xf32>,
        tpu.vector_store %swap3A_522[%swap3A_523, %swap3A_524], %bitcast3A_509 {strides = array<i32>} : memref<80x64xf32, #tpu.memory_space<vmem>>, vector<16xf32>,
      }
      %scan3A_381 = arith.constant 80 : i32
      %add3A_382 = arith.constant 3 : i32
      %add3A_383 = arith.addi %add3A_198, %add3A_382 : i32
      %mul3A_384 = arith.constant 80 : i32
      %mul3A_385 = arith.muli %add3A_383, %mul3A_384 : i32
      %dma_start3A_386 = arith.constant 3 : i32
      %dma_start3A_387 = arith.constant 3 : i32
      %dma_start3A_388 = arith.constant 0 : i32
      %dma_start3A_389 = arith.constant 0 : i32
      %dma_start3A_390 = tpu.memref_slice %arg9[%dma_start3A_386, %dma_start3A_388, %dma_start3A_389] : memref<5x80x64xf32, #tpu.memory_space<vmem>> -> memref<1x80x64xf32, #tpu.memory_space<vmem>>
      %dma_start3A_391 = tpu.memref_squeeze %dma_start3A_390 : memref<1x80x64xf32, #tpu.memory_space<vmem>> -> memref<80x64xf32, #tpu.memory_space<vmem>>
      %dma_start3A_392 = tpu.memref_slice %arg7[%mul3A_385] : memref<10000xi32, #tpu.memory_space<vmem>> -> memref<80xi32, #tpu.memory_space<vmem>>
      %dma_start3A_393 = arith.constant 0 : i32
      %dma_start3A_394 = arith.constant 0 : i32
      %dma_start3A_395 = tpu.memref_slice %arg10[%dma_start3A_393, %dma_start3A_394] : memref<10112x64xf32, #tpu.memory_space<vmem_shared>> -> memref<10112x64xf32, #tpu.memory_space<vmem_shared>>
      %dma_start3A_396 = tpu.memref_slice %arg12[%dma_start3A_387] : memref<5x!tpu.dma_semaphore, #tpu.memory_space<semaphore_mem>> -> memref<1x!tpu.dma_semaphore, #tpu.memory_space<semaphore_mem>>
      %dma_start3A_397 = tpu.memref_squeeze %dma_start3A_396 : memref<1x!tpu.dma_semaphore, #tpu.memory_space<semaphore_mem>> -> memref<!tpu.dma_semaphore, #tpu.memory_space<semaphore_mem>>
      tpu.enqueue_indirect_dma source(%dma_start3A_391 : memref<80x64xf32, #tpu.memory_space<vmem>>) target(%dma_start3A_395 : memref<10112x64xf32, #tpu.memory_space<vmem_shared>>) offsets(%dma_start3A_392 : memref<80xi32, #tpu.memory_space<vmem>>) semaphore(%dma_start3A_397 : memref<!tpu.dma_semaphore, #tpu.memory_space<semaphore_mem>>) {add = true}
      %add3A_398 = arith.constant 3 : i32
      %add3A_399 = arith.addi %add3A_198, %add3A_398 : i32
      %add3A_400 = arith.constant 5 : i32
      %add3A_401 = arith.addi %add3A_399, %add3A_400 : i32
      %lt3A_402 = arith.constant 125 : i32
      %lt3A_403 = arith.cmpi slt, %add3A_401, %lt3A_402 : i32
      %convert_element_type3A_404 = arith.extui %lt3A_403 : i1 to i32
      %cond3A_405 = arith.constant 0 : i32
      %cond3A_406 = arith.cmpi ne, %convert_element_type3A_404, %cond3A_405 : i32
      scf.if %cond3A_406 {
        %add3A_460 = arith.constant 3 : i32
        %add3A_461 = arith.addi %add3A_198, %add3A_460 : i32
        %add3A_462 = arith.constant 5 : i32
        %add3A_463 = arith.addi %add3A_461, %add3A_462 : i32
        %mul3A_464 = arith.constant 80 : i32
        %mul3A_465 = arith.muli %add3A_463, %mul3A_464 : i32
        %dma_start3A_466 = arith.constant 3 : i32
        %dma_start3A_467 = arith.constant 3 : i32
        %dma_start3A_468 = arith.constant 0 : i32
        %dma_start3A_469 = arith.constant 0 : i32
        %dma_start3A_470 = tpu.memref_slice %arg8[%dma_start3A_466, %dma_start3A_468, %dma_start3A_469] : memref<5x80x64xbf16, #tpu.memory_space<vmem>> -> memref<1x80x64xbf16, #tpu.memory_space<vmem>>
        %dma_start3A_471 = tpu.memref_squeeze %dma_start3A_470 : memref<1x80x64xbf16, #tpu.memory_space<vmem>> -> memref<80x64xbf16, #tpu.memory_space<vmem>>
        %dma_start3A_472 = tpu.memref_slice %arg6[%mul3A_465] : memref<10000xi32, #tpu.memory_space<vmem>> -> memref<80xi32, #tpu.memory_space<vmem>>
        %dma_start3A_473 = arith.constant 0 : i32
        %dma_start3A_474 = arith.constant 0 : i32
        %dma_start3A_475 = tpu.memref_slice %arg2[%dma_start3A_473, %dma_start3A_474] : memref<10000x64xbf16, #tpu.memory_space<hbm>> -> memref<10000x64xbf16, #tpu.memory_space<hbm>>
        %dma_start3A_476 = tpu.memref_slice %arg11[%dma_start3A_467] : memref<5x!tpu.dma_semaphore, #tpu.memory_space<semaphore_mem>> -> memref<1x!tpu.dma_semaphore, #tpu.memory_space<semaphore_mem>>
        %dma_start3A_477 = tpu.memref_squeeze %dma_start3A_476 : memref<1x!tpu.dma_semaphore, #tpu.memory_space<semaphore_mem>> -> memref<!tpu.dma_semaphore, #tpu.memory_space<semaphore_mem>>
        tpu.enqueue_indirect_dma source(%dma_start3A_475 : memref<10000x64xbf16, #tpu.memory_space<hbm>>) target(%dma_start3A_471 : memref<80x64xbf16, #tpu.memory_space<vmem>>) offsets(%dma_start3A_472 : memref<80xi32, #tpu.memory_space<vmem>>) semaphore(%dma_start3A_477 : memref<!tpu.dma_semaphore, #tpu.memory_space<semaphore_mem>>)
      } else {
      }
      %add3A_407 = arith.constant 4 : i32
      %add3A_408 = arith.addi %add3A_198, %add3A_407 : i32
      %mul3A_409 = arith.constant 80 : i32
      %mul3A_410 = arith.muli %add3A_408, %mul3A_409 : i32
      %dma_wait3A_411 = arith.constant 4 : i32
      %dma_wait3A_412 = arith.constant 4 : i32
      %dma_wait3A_413 = arith.constant 0 : i32
      %dma_wait3A_414 = arith.constant 0 : i32
      %dma_wait3A_415 = tpu.memref_slice %arg8[%dma_wait3A_411, %dma_wait3A_413, %dma_wait3A_414] : memref<5x80x64xbf16, #tpu.memory_space<vmem>> -> memref<1x80x64xbf16, #tpu.memory_space<vmem>>
      %dma_wait3A_416 = tpu.memref_squeeze %dma_wait3A_415 : memref<1x80x64xbf16, #tpu.memory_space<vmem>> -> memref<80x64xbf16, #tpu.memory_space<vmem>>
      %dma_wait3A_417 = tpu.memref_slice %arg6[%mul3A_410] : memref<10000xi32, #tpu.memory_space<vmem>> -> memref<80xi32, #tpu.memory_space<vmem>>
      %dma_wait3A_418 = arith.constant 0 : i32
      %dma_wait3A_419 = arith.constant 0 : i32
      %dma_wait3A_420 = tpu.memref_slice %arg2[%dma_wait3A_418, %dma_wait3A_419] : memref<10000x64xbf16, #tpu.memory_space<hbm>> -> memref<10000x64xbf16, #tpu.memory_space<hbm>>
      %dma_wait3A_421 = tpu.memref_slice %arg11[%dma_wait3A_412] : memref<5x!tpu.dma_semaphore, #tpu.memory_space<semaphore_mem>> -> memref<1x!tpu.dma_semaphore, #tpu.memory_space<semaphore_mem>>
      %dma_wait3A_422 = tpu.memref_squeeze %dma_wait3A_421 : memref<1x!tpu.dma_semaphore, #tpu.memory_space<semaphore_mem>> -> memref<!tpu.dma_semaphore, #tpu.memory_space<semaphore_mem>>
      tpu.wait_indirect_dma semaphore(%dma_wait3A_422 : memref<!tpu.dma_semaphore, #tpu.memory_space<semaphore_mem>>) src(%dma_wait3A_420 : memref<10000x64xbf16, #tpu.memory_space<hbm>>) dst(%dma_wait3A_416 : memref<80x64xbf16, #tpu.memory_space<vmem>>)
      %add3A_423 = arith.constant 4 : i32
      %add3A_424 = arith.addi %add3A_198, %add3A_423 : i32
      %ge3A_425 = arith.constant 5 : i32
      %ge3A_426 = arith.cmpi sge, %add3A_424, %ge3A_425 : i32
      %convert_element_type3A_427 = arith.extui %ge3A_426 : i1 to i32
      %cond3A_428 = arith.constant 0 : i32
      %cond3A_429 = arith.cmpi ne, %convert_element_type3A_427, %cond3A_428 : i32
      scf.if %cond3A_429 {
        %dma_wait3A_460 = arith.constant 4 : i32
        %dma_wait3A_461 = arith.constant 4 : i32
        %dma_wait3A_462 = arith.constant 0 : i32
        %dma_wait3A_463 = arith.constant 0 : i32
        %dma_wait3A_464 = tpu.memref_slice %arg9[%dma_wait3A_460, %dma_wait3A_462, %dma_wait3A_463] : memref<5x80x64xf32, #tpu.memory_space<vmem>> -> memref<1x80x64xf32, #tpu.memory_space<vmem>>
        %dma_wait3A_465 = tpu.memref_squeeze %dma_wait3A_464 : memref<1x80x64xf32, #tpu.memory_space<vmem>> -> memref<80x64xf32, #tpu.memory_space<vmem>>
        %dma_wait3A_466 = arith.constant 0 : i32
        %dma_wait3A_467 = tpu.memref_slice %arg7[%dma_wait3A_466] : memref<10000xi32, #tpu.memory_space<vmem>> -> memref<80xi32, #tpu.memory_space<vmem>>
        %dma_wait3A_468 = arith.constant 0 : i32
        %dma_wait3A_469 = arith.constant 0 : i32
        %dma_wait3A_470 = tpu.memref_slice %arg10[%dma_wait3A_468, %dma_wait3A_469] : memref<10112x64xf32, #tpu.memory_space<vmem_shared>> -> memref<10112x64xf32, #tpu.memory_space<vmem_shared>>
        %dma_wait3A_471 = tpu.memref_slice %arg12[%dma_wait3A_461] : memref<5x!tpu.dma_semaphore, #tpu.memory_space<semaphore_mem>> -> memref<1x!tpu.dma_semaphore, #tpu.memory_space<semaphore_mem>>
        %dma_wait3A_472 = tpu.memref_squeeze %dma_wait3A_471 : memref<1x!tpu.dma_semaphore, #tpu.memory_space<semaphore_mem>> -> memref<!tpu.dma_semaphore, #tpu.memory_space<semaphore_mem>>
        tpu.wait_indirect_dma semaphore(%dma_wait3A_472 : memref<!tpu.dma_semaphore, #tpu.memory_space<semaphore_mem>>) src(%dma_wait3A_465 : memref<80x64xf32, #tpu.memory_space<vmem>>) dst(%dma_wait3A_470 : memref<10112x64xf32, #tpu.memory_space<vmem_shared>>)
      } else {
      }
      %scan3A_430 = arith.constant 0 : i32
      %scan3A_431 = arith.constant 80 : i32
      %scan3A_432 = arith.addi %scan3A_430, %scan3A_431 : i32
      %scan3A_433 = arith.constant 1 : i32
      scf.for %scan3A_460 = %scan3A_430 to %scan3A_432 step %scan3A_433  : i32 {
        %mul3A_461 = arith.constant 1 : i32
        %mul3A_462 = arith.muli %scan3A_460, %mul3A_461 : i32
        %add3A_463 = arith.constant 0 : i32
        %add3A_464 = arith.addi %add3A_463, %mul3A_462 : i32
        %get3A = arith.constant 4 : i32
        %get3A_465 = arith.constant 0 : i32
        %get3A_466 = arith.constant 0 : i32
        %get3A_467 = tpu.memref_slice %arg8[%get3A, %get3A_465, %get3A_466] : memref<5x80x64xbf16, #tpu.memory_space<vmem>> -> memref<1x80x64xbf16, #tpu.memory_space<vmem>>
        %get3A_468 = tpu.memref_squeeze %get3A_467 : memref<1x80x64xbf16, #tpu.memory_space<vmem>> -> memref<80x64xbf16, #tpu.memory_space<vmem>>
        %get3A_469 = arith.index_cast %add3A_464 : i32 to index
        %get3A_470 = arith.constant 0 : index
        %get3A_471 = tpu.vector_load %get3A_468[%get3A_469, %get3A_470] {strides = array<i32>} : memref<80x64xbf16, #tpu.memory_space<vmem>>, vector<32xbf16>,
        %bitcast3A = vector.bitcast %get3A_471 : vector<32xbf16> to vector<16xi32>
        %shift_left3A = arith.constant 16 : i32
        %shift_left3A_472 = vector.broadcast %shift_left3A : i32 to vector<16xi32>
        %shift_left3A_473 = arith.shli %bitcast3A, %shift_left3A_472 : vector<16xi32>
        %bitcast3A_474 = vector.bitcast %shift_left3A_473 : vector<16xi32> to vector<16xf32>
        %and3A = arith.constant -65536 : i32
        %and3A_475 = vector.broadcast %and3A : i32 to vector<16xi32>
        %and3A_476 = arith.andi %bitcast3A, %and3A_475 : vector<16xi32>
        %bitcast3A_477 = vector.bitcast %and3A_476 : vector<16xi32> to vector<16xf32>
        %swap3A = arith.constant 4 : i32
        %swap3A_478 = arith.constant 0 : i32
        %swap3A_479 = arith.constant 0 : i32
        %swap3A_480 = tpu.memref_slice %arg9[%swap3A, %swap3A_478, %swap3A_479] : memref<5x80x64xf32, #tpu.memory_space<vmem>> -> memref<1x80x64xf32, #tpu.memory_space<vmem>>
        %swap3A_481 = tpu.memref_squeeze %swap3A_480 : memref<1x80x64xf32, #tpu.memory_space<vmem>> -> memref<80x64xf32, #tpu.memory_space<vmem>>
        %swap3A_482 = arith.index_cast %add3A_464 : i32 to index
        %swap3A_483 = arith.constant 0 : index
        %swap3A_484 = tpu.vector_load %swap3A_481[%swap3A_482, %swap3A_483] {strides = array<i32>} : memref<80x64xf32, #tpu.memory_space<vmem>>, vector<16xf32>,
        tpu.vector_store %swap3A_481[%swap3A_482, %swap3A_483], %bitcast3A_474 {strides = array<i32>} : memref<80x64xf32, #tpu.memory_space<vmem>>, vector<16xf32>,
        %swap3A_485 = arith.constant 4 : i32
        %swap3A_486 = arith.constant 0 : i32
        %swap3A_487 = arith.constant 0 : i32
        %swap3A_488 = tpu.memref_slice %arg9[%swap3A_485, %swap3A_486, %swap3A_487] : memref<5x80x64xf32, #tpu.memory_space<vmem>> -> memref<1x80x64xf32, #tpu.memory_space<vmem>>
        %swap3A_489 = tpu.memref_squeeze %swap3A_488 : memref<1x80x64xf32, #tpu.memory_space<vmem>> -> memref<80x64xf32, #tpu.memory_space<vmem>>
        %swap3A_490 = arith.index_cast %add3A_464 : i32 to index
        %swap3A_491 = arith.constant 16 : index
        %swap3A_492 = tpu.vector_load %swap3A_489[%swap3A_490, %swap3A_491] {strides = array<i32>} : memref<80x64xf32, #tpu.memory_space<vmem>>, vector<16xf32>,
        tpu.vector_store %swap3A_489[%swap3A_490, %swap3A_491], %bitcast3A_477 {strides = array<i32>} : memref<80x64xf32, #tpu.memory_space<vmem>>, vector<16xf32>,
        %get3A_493 = arith.constant 4 : i32
        %get3A_494 = arith.constant 0 : i32
        %get3A_495 = arith.constant 0 : i32
        %get3A_496 = tpu.memref_slice %arg8[%get3A_493, %get3A_494, %get3A_495] : memref<5x80x64xbf16, #tpu.memory_space<vmem>> -> memref<1x80x64xbf16, #tpu.memory_space<vmem>>
        %get3A_497 = tpu.memref_squeeze %get3A_496 : memref<1x80x64xbf16, #tpu.memory_space<vmem>> -> memref<80x64xbf16, #tpu.memory_space<vmem>>
        %get3A_498 = arith.index_cast %add3A_464 : i32 to index
        %get3A_499 = arith.constant 32 : index
        %get3A_500 = tpu.vector_load %get3A_497[%get3A_498, %get3A_499] {strides = array<i32>} : memref<80x64xbf16, #tpu.memory_space<vmem>>, vector<32xbf16>,
        %bitcast3A_501 = vector.bitcast %get3A_500 : vector<32xbf16> to vector<16xi32>
        %shift_left3A_502 = arith.constant 16 : i32
        %shift_left3A_503 = vector.broadcast %shift_left3A_502 : i32 to vector<16xi32>
        %shift_left3A_504 = arith.shli %bitcast3A_501, %shift_left3A_503 : vector<16xi32>
        %bitcast3A_505 = vector.bitcast %shift_left3A_504 : vector<16xi32> to vector<16xf32>
        %and3A_506 = arith.constant -65536 : i32
        %and3A_507 = vector.broadcast %and3A_506 : i32 to vector<16xi32>
        %and3A_508 = arith.andi %bitcast3A_501, %and3A_507 : vector<16xi32>
        %bitcast3A_509 = vector.bitcast %and3A_508 : vector<16xi32> to vector<16xf32>
        %swap3A_510 = arith.constant 4 : i32
        %swap3A_511 = arith.constant 0 : i32
        %swap3A_512 = arith.constant 0 : i32
        %swap3A_513 = tpu.memref_slice %arg9[%swap3A_510, %swap3A_511, %swap3A_512] : memref<5x80x64xf32, #tpu.memory_space<vmem>> -> memref<1x80x64xf32, #tpu.memory_space<vmem>>
        %swap3A_514 = tpu.memref_squeeze %swap3A_513 : memref<1x80x64xf32, #tpu.memory_space<vmem>> -> memref<80x64xf32, #tpu.memory_space<vmem>>
        %swap3A_515 = arith.index_cast %add3A_464 : i32 to index
        %swap3A_516 = arith.constant 32 : index
        %swap3A_517 = tpu.vector_load %swap3A_514[%swap3A_515, %swap3A_516] {strides = array<i32>} : memref<80x64xf32, #tpu.memory_space<vmem>>, vector<16xf32>,
        tpu.vector_store %swap3A_514[%swap3A_515, %swap3A_516], %bitcast3A_505 {strides = array<i32>} : memref<80x64xf32, #tpu.memory_space<vmem>>, vector<16xf32>,
        %swap3A_518 = arith.constant 4 : i32
        %swap3A_519 = arith.constant 0 : i32
        %swap3A_520 = arith.constant 0 : i32
        %swap3A_521 = tpu.memref_slice %arg9[%swap3A_518, %swap3A_519, %swap3A_520] : memref<5x80x64xf32, #tpu.memory_space<vmem>> -> memref<1x80x64xf32, #tpu.memory_space<vmem>>
        %swap3A_522 = tpu.memref_squeeze %swap3A_521 : memref<1x80x64xf32, #tpu.memory_space<vmem>> -> memref<80x64xf32, #tpu.memory_space<vmem>>
        %swap3A_523 = arith.index_cast %add3A_464 : i32 to index
        %swap3A_524 = arith.constant 48 : index
        %swap3A_525 = tpu.vector_load %swap3A_522[%swap3A_523, %swap3A_524] {strides = array<i32>} : memref<80x64xf32, #tpu.memory_space<vmem>>, vector<16xf32>,
        tpu.vector_store %swap3A_522[%swap3A_523, %swap3A_524], %bitcast3A_509 {strides = array<i32>} : memref<80x64xf32, #tpu.memory_space<vmem>>, vector<16xf32>,
      }
      %scan3A_434 = arith.constant 80 : i32
      %add3A_435 = arith.constant 4 : i32
      %add3A_436 = arith.addi %add3A_198, %add3A_435 : i32
      %mul3A_437 = arith.constant 80 : i32
      %mul3A_438 = arith.muli %add3A_436, %mul3A_437 : i32
      %dma_start3A_439 = arith.constant 4 : i32
      %dma_start3A_440 = arith.constant 4 : i32
      %dma_start3A_441 = arith.constant 0 : i32
      %dma_start3A_442 = arith.constant 0 : i32
      %dma_start3A_443 = tpu.memref_slice %arg9[%dma_start3A_439, %dma_start3A_441, %dma_start3A_442] : memref<5x80x64xf32, #tpu.memory_space<vmem>> -> memref<1x80x64xf32, #tpu.memory_space<vmem>>
      %dma_start3A_444 = tpu.memref_squeeze %dma_start3A_443 : memref<1x80x64xf32, #tpu.memory_space<vmem>> -> memref<80x64xf32, #tpu.memory_space<vmem>>
      %dma_start3A_445 = tpu.memref_slice %arg7[%mul3A_438] : memref<10000xi32, #tpu.memory_space<vmem>> -> memref<80xi32, #tpu.memory_space<vmem>>
      %dma_start3A_446 = arith.constant 0 : i32
      %dma_start3A_447 = arith.constant 0 : i32
      %dma_start3A_448 = tpu.memref_slice %arg10[%dma_start3A_446, %dma_start3A_447] : memref<10112x64xf32, #tpu.memory_space<vmem_shared>> -> memref<10112x64xf32, #tpu.memory_space<vmem_shared>>
      %dma_start3A_449 = tpu.memref_slice %arg12[%dma_start3A_440] : memref<5x!tpu.dma_semaphore, #tpu.memory_space<semaphore_mem>> -> memref<1x!tpu.dma_semaphore, #tpu.memory_space<semaphore_mem>>
      %dma_start3A_450 = tpu.memref_squeeze %dma_start3A_449 : memref<1x!tpu.dma_semaphore, #tpu.memory_space<semaphore_mem>> -> memref<!tpu.dma_semaphore, #tpu.memory_space<semaphore_mem>>
      tpu.enqueue_indirect_dma source(%dma_start3A_444 : memref<80x64xf32, #tpu.memory_space<vmem>>) target(%dma_start3A_448 : memref<10112x64xf32, #tpu.memory_space<vmem_shared>>) offsets(%dma_start3A_445 : memref<80xi32, #tpu.memory_space<vmem>>) semaphore(%dma_start3A_450 : memref<!tpu.dma_semaphore, #tpu.memory_space<semaphore_mem>>) {add = true}
      %add3A_451 = arith.constant 4 : i32
      %add3A_452 = arith.addi %add3A_198, %add3A_451 : i32
      %add3A_453 = arith.constant 5 : i32
      %add3A_454 = arith.addi %add3A_452, %add3A_453 : i32
      %lt3A_455 = arith.constant 125 : i32
      %lt3A_456 = arith.cmpi slt, %add3A_454, %lt3A_455 : i32
      %convert_element_type3A_457 = arith.extui %lt3A_456 : i1 to i32
      %cond3A_458 = arith.constant 0 : i32
      %cond3A_459 = arith.cmpi ne, %convert_element_type3A_457, %cond3A_458 : i32
      scf.if %cond3A_459 {
        %add3A_460 = arith.constant 4 : i32
        %add3A_461 = arith.addi %add3A_198, %add3A_460 : i32
        %add3A_462 = arith.constant 5 : i32
        %add3A_463 = arith.addi %add3A_461, %add3A_462 : i32
        %mul3A_464 = arith.constant 80 : i32
        %mul3A_465 = arith.muli %add3A_463, %mul3A_464 : i32
        %dma_start3A_466 = arith.constant 4 : i32
        %dma_start3A_467 = arith.constant 4 : i32
        %dma_start3A_468 = arith.constant 0 : i32
        %dma_start3A_469 = arith.constant 0 : i32
        %dma_start3A_470 = tpu.memref_slice %arg8[%dma_start3A_466, %dma_start3A_468, %dma_start3A_469] : memref<5x80x64xbf16, #tpu.memory_space<vmem>> -> memref<1x80x64xbf16, #tpu.memory_space<vmem>>
        %dma_start3A_471 = tpu.memref_squeeze %dma_start3A_470 : memref<1x80x64xbf16, #tpu.memory_space<vmem>> -> memref<80x64xbf16, #tpu.memory_space<vmem>>
        %dma_start3A_472 = tpu.memref_slice %arg6[%mul3A_465] : memref<10000xi32, #tpu.memory_space<vmem>> -> memref<80xi32, #tpu.memory_space<vmem>>
        %dma_start3A_473 = arith.constant 0 : i32
        %dma_start3A_474 = arith.constant 0 : i32
        %dma_start3A_475 = tpu.memref_slice %arg2[%dma_start3A_473, %dma_start3A_474] : memref<10000x64xbf16, #tpu.memory_space<hbm>> -> memref<10000x64xbf16, #tpu.memory_space<hbm>>
        %dma_start3A_476 = tpu.memref_slice %arg11[%dma_start3A_467] : memref<5x!tpu.dma_semaphore, #tpu.memory_space<semaphore_mem>> -> memref<1x!tpu.dma_semaphore, #tpu.memory_space<semaphore_mem>>
        %dma_start3A_477 = tpu.memref_squeeze %dma_start3A_476 : memref<1x!tpu.dma_semaphore, #tpu.memory_space<semaphore_mem>> -> memref<!tpu.dma_semaphore, #tpu.memory_space<semaphore_mem>>
        tpu.enqueue_indirect_dma source(%dma_start3A_475 : memref<10000x64xbf16, #tpu.memory_space<hbm>>) target(%dma_start3A_471 : memref<80x64xbf16, #tpu.memory_space<vmem>>) offsets(%dma_start3A_472 : memref<80xi32, #tpu.memory_space<vmem>>) semaphore(%dma_start3A_477 : memref<!tpu.dma_semaphore, #tpu.memory_space<semaphore_mem>>)
      } else {
      }
    }
    %scan3A_121 = arith.constant 25 : i32
    %dma_wait3A_122 = arith.constant 0 : i32
    %dma_wait3A_123 = arith.constant 0 : i32
    %dma_wait3A_124 = arith.constant 0 : i32
    %dma_wait3A_125 = arith.constant 0 : i32
    %dma_wait3A_126 = tpu.memref_slice %arg9[%dma_wait3A_122, %dma_wait3A_124, %dma_wait3A_125] : memref<5x80x64xf32, #tpu.memory_space<vmem>> -> memref<1x80x64xf32, #tpu.memory_space<vmem>>
    %dma_wait3A_127 = tpu.memref_squeeze %dma_wait3A_126 : memref<1x80x64xf32, #tpu.memory_space<vmem>> -> memref<80x64xf32, #tpu.memory_space<vmem>>
    %dma_wait3A_128 = arith.constant 0 : i32
    %dma_wait3A_129 = tpu.memref_slice %arg7[%dma_wait3A_128] : memref<10000xi32, #tpu.memory_space<vmem>> -> memref<80xi32, #tpu.memory_space<vmem>>
    %dma_wait3A_130 = arith.constant 0 : i32
    %dma_wait3A_131 = arith.constant 0 : i32
    %dma_wait3A_132 = tpu.memref_slice %arg10[%dma_wait3A_130, %dma_wait3A_131] : memref<10112x64xf32, #tpu.memory_space<vmem_shared>> -> memref<10112x64xf32, #tpu.memory_space<vmem_shared>>
    %dma_wait3A_133 = tpu.memref_slice %arg12[%dma_wait3A_123] : memref<5x!tpu.dma_semaphore, #tpu.memory_space<semaphore_mem>> -> memref<1x!tpu.dma_semaphore, #tpu.memory_space<semaphore_mem>>
    %dma_wait3A_134 = tpu.memref_squeeze %dma_wait3A_133 : memref<1x!tpu.dma_semaphore, #tpu.memory_space<semaphore_mem>> -> memref<!tpu.dma_semaphore, #tpu.memory_space<semaphore_mem>>
    tpu.wait_indirect_dma semaphore(%dma_wait3A_134 : memref<!tpu.dma_semaphore, #tpu.memory_space<semaphore_mem>>) src(%dma_wait3A_127 : memref<80x64xf32, #tpu.memory_space<vmem>>) dst(%dma_wait3A_132 : memref<10112x64xf32, #tpu.memory_space<vmem_shared>>)
    %dma_wait3A_135 = arith.constant 1 : i32
    %dma_wait3A_136 = arith.constant 1 : i32
    %dma_wait3A_137 = arith.constant 0 : i32
    %dma_wait3A_138 = arith.constant 0 : i32
    %dma_wait3A_139 = tpu.memref_slice %arg9[%dma_wait3A_135, %dma_wait3A_137, %dma_wait3A_138] : memref<5x80x64xf32, #tpu.memory_space<vmem>> -> memref<1x80x64xf32, #tpu.memory_space<vmem>>
    %dma_wait3A_140 = tpu.memref_squeeze %dma_wait3A_139 : memref<1x80x64xf32, #tpu.memory_space<vmem>> -> memref<80x64xf32, #tpu.memory_space<vmem>>
    %dma_wait3A_141 = arith.constant 0 : i32
    %dma_wait3A_142 = tpu.memref_slice %arg7[%dma_wait3A_141] : memref<10000xi32, #tpu.memory_space<vmem>> -> memref<80xi32, #tpu.memory_space<vmem>>
    %dma_wait3A_143 = arith.constant 0 : i32
    %dma_wait3A_144 = arith.constant 0 : i32
    %dma_wait3A_145 = tpu.memref_slice %arg10[%dma_wait3A_143, %dma_wait3A_144] : memref<10112x64xf32, #tpu.memory_space<vmem_shared>> -> memref<10112x64xf32, #tpu.memory_space<vmem_shared>>
    %dma_wait3A_146 = tpu.memref_slice %arg12[%dma_wait3A_136] : memref<5x!tpu.dma_semaphore, #tpu.memory_space<semaphore_mem>> -> memref<1x!tpu.dma_semaphore, #tpu.memory_space<semaphore_mem>>
    %dma_wait3A_147 = tpu.memref_squeeze %dma_wait3A_146 : memref<1x!tpu.dma_semaphore, #tpu.memory_space<semaphore_mem>> -> memref<!tpu.dma_semaphore, #tpu.memory_space<semaphore_mem>>
    tpu.wait_indirect_dma semaphore(%dma_wait3A_147 : memref<!tpu.dma_semaphore, #tpu.memory_space<semaphore_mem>>) src(%dma_wait3A_140 : memref<80x64xf32, #tpu.memory_space<vmem>>) dst(%dma_wait3A_145 : memref<10112x64xf32, #tpu.memory_space<vmem_shared>>)
    %dma_wait3A_148 = arith.constant 2 : i32
    %dma_wait3A_149 = arith.constant 2 : i32
    %dma_wait3A_150 = arith.constant 0 : i32
    %dma_wait3A_151 = arith.constant 0 : i32
    %dma_wait3A_152 = tpu.memref_slice %arg9[%dma_wait3A_148, %dma_wait3A_150, %dma_wait3A_151] : memref<5x80x64xf32, #tpu.memory_space<vmem>> -> memref<1x80x64xf32, #tpu.memory_space<vmem>>
    %dma_wait3A_153 = tpu.memref_squeeze %dma_wait3A_152 : memref<1x80x64xf32, #tpu.memory_space<vmem>> -> memref<80x64xf32, #tpu.memory_space<vmem>>
    %dma_wait3A_154 = arith.constant 0 : i32
    %dma_wait3A_155 = tpu.memref_slice %arg7[%dma_wait3A_154] : memref<10000xi32, #tpu.memory_space<vmem>> -> memref<80xi32, #tpu.memory_space<vmem>>
    %dma_wait3A_156 = arith.constant 0 : i32
    %dma_wait3A_157 = arith.constant 0 : i32
    %dma_wait3A_158 = tpu.memref_slice %arg10[%dma_wait3A_156, %dma_wait3A_157] : memref<10112x64xf32, #tpu.memory_space<vmem_shared>> -> memref<10112x64xf32, #tpu.memory_space<vmem_shared>>
    %dma_wait3A_159 = tpu.memref_slice %arg12[%dma_wait3A_149] : memref<5x!tpu.dma_semaphore, #tpu.memory_space<semaphore_mem>> -> memref<1x!tpu.dma_semaphore, #tpu.memory_space<semaphore_mem>>
    %dma_wait3A_160 = tpu.memref_squeeze %dma_wait3A_159 : memref<1x!tpu.dma_semaphore, #tpu.memory_space<semaphore_mem>> -> memref<!tpu.dma_semaphore, #tpu.memory_space<semaphore_mem>>
    tpu.wait_indirect_dma semaphore(%dma_wait3A_160 : memref<!tpu.dma_semaphore, #tpu.memory_space<semaphore_mem>>) src(%dma_wait3A_153 : memref<80x64xf32, #tpu.memory_space<vmem>>) dst(%dma_wait3A_158 : memref<10112x64xf32, #tpu.memory_space<vmem_shared>>)
    %dma_wait3A_161 = arith.constant 3 : i32
    %dma_wait3A_162 = arith.constant 3 : i32
    %dma_wait3A_163 = arith.constant 0 : i32
    %dma_wait3A_164 = arith.constant 0 : i32
    %dma_wait3A_165 = tpu.memref_slice %arg9[%dma_wait3A_161, %dma_wait3A_163, %dma_wait3A_164] : memref<5x80x64xf32, #tpu.memory_space<vmem>> -> memref<1x80x64xf32, #tpu.memory_space<vmem>>
    %dma_wait3A_166 = tpu.memref_squeeze %dma_wait3A_165 : memref<1x80x64xf32, #tpu.memory_space<vmem>> -> memref<80x64xf32, #tpu.memory_space<vmem>>
    %dma_wait3A_167 = arith.constant 0 : i32
    %dma_wait3A_168 = tpu.memref_slice %arg7[%dma_wait3A_167] : memref<10000xi32, #tpu.memory_space<vmem>> -> memref<80xi32, #tpu.memory_space<vmem>>
    %dma_wait3A_169 = arith.constant 0 : i32
    %dma_wait3A_170 = arith.constant 0 : i32
    %dma_wait3A_171 = tpu.memref_slice %arg10[%dma_wait3A_169, %dma_wait3A_170] : memref<10112x64xf32, #tpu.memory_space<vmem_shared>> -> memref<10112x64xf32, #tpu.memory_space<vmem_shared>>
    %dma_wait3A_172 = tpu.memref_slice %arg12[%dma_wait3A_162] : memref<5x!tpu.dma_semaphore, #tpu.memory_space<semaphore_mem>> -> memref<1x!tpu.dma_semaphore, #tpu.memory_space<semaphore_mem>>
    %dma_wait3A_173 = tpu.memref_squeeze %dma_wait3A_172 : memref<1x!tpu.dma_semaphore, #tpu.memory_space<semaphore_mem>> -> memref<!tpu.dma_semaphore, #tpu.memory_space<semaphore_mem>>
    tpu.wait_indirect_dma semaphore(%dma_wait3A_173 : memref<!tpu.dma_semaphore, #tpu.memory_space<semaphore_mem>>) src(%dma_wait3A_166 : memref<80x64xf32, #tpu.memory_space<vmem>>) dst(%dma_wait3A_171 : memref<10112x64xf32, #tpu.memory_space<vmem_shared>>)
    %dma_wait3A_174 = arith.constant 4 : i32
    %dma_wait3A_175 = arith.constant 4 : i32
    %dma_wait3A_176 = arith.constant 0 : i32
    %dma_wait3A_177 = arith.constant 0 : i32
    %dma_wait3A_178 = tpu.memref_slice %arg9[%dma_wait3A_174, %dma_wait3A_176, %dma_wait3A_177] : memref<5x80x64xf32, #tpu.memory_space<vmem>> -> memref<1x80x64xf32, #tpu.memory_space<vmem>>
    %dma_wait3A_179 = tpu.memref_squeeze %dma_wait3A_178 : memref<1x80x64xf32, #tpu.memory_space<vmem>> -> memref<80x64xf32, #tpu.memory_space<vmem>>
    %dma_wait3A_180 = arith.constant 0 : i32
    %dma_wait3A_181 = tpu.memref_slice %arg7[%dma_wait3A_180] : memref<10000xi32, #tpu.memory_space<vmem>> -> memref<80xi32, #tpu.memory_space<vmem>>
    %dma_wait3A_182 = arith.constant 0 : i32
    %dma_wait3A_183 = arith.constant 0 : i32
    %dma_wait3A_184 = tpu.memref_slice %arg10[%dma_wait3A_182, %dma_wait3A_183] : memref<10112x64xf32, #tpu.memory_space<vmem_shared>> -> memref<10112x64xf32, #tpu.memory_space<vmem_shared>>
    %dma_wait3A_185 = tpu.memref_slice %arg12[%dma_wait3A_175] : memref<5x!tpu.dma_semaphore, #tpu.memory_space<semaphore_mem>> -> memref<1x!tpu.dma_semaphore, #tpu.memory_space<semaphore_mem>>
    %dma_wait3A_186 = tpu.memref_squeeze %dma_wait3A_185 : memref<1x!tpu.dma_semaphore, #tpu.memory_space<semaphore_mem>> -> memref<!tpu.dma_semaphore, #tpu.memory_space<semaphore_mem>>
    tpu.wait_indirect_dma semaphore(%dma_wait3A_186 : memref<!tpu.dma_semaphore, #tpu.memory_space<semaphore_mem>>) src(%dma_wait3A_179 : memref<80x64xf32, #tpu.memory_space<vmem>>) dst(%dma_wait3A_184 : memref<10112x64xf32, #tpu.memory_space<vmem_shared>>)
    %barrier3A_187 = arith.constant 0 : index
    tpu.barrier barrier_id(%barrier3A_187)
    %mul3A_188 = arith.constant 632 : i32
    %mul3A_189 = arith.muli %arg1, %mul3A_188 : i32
    %mul3A_190 = arith.constant 632 : i32
    %mul3A_191 = arith.muli %arg1, %mul3A_190 : i32
    %mul3A_192 = arith.constant 64 : i32
    %mul3A_193 = arith.muli %arg0, %mul3A_192 : i32
    "tpu.region"() ({
      %run_scoped3A = tpu.sem_alloc : memref<!tpu.dma_semaphore, #tpu.memory_space<semaphore_mem>>
      %dma_start3A_194 = tpu.memref_slice %arg5[%mul3A_191, %mul3A_193] : memref<10112x128xf32, #tpu.memory_space<hbm>> -> memref<632x64xf32, #tpu.memory_space<hbm>>
      %dma_start3A_195 = arith.constant 0 : i32
      %dma_start3A_196 = tpu.memref_slice %arg10[%mul3A_189, %dma_start3A_195] : memref<10112x64xf32, #tpu.memory_space<vmem_shared>> -> memref<632x64xf32, #tpu.memory_space<vmem_shared>>
      tpu.enqueue_dma source(%dma_start3A_196 : memref<632x64xf32, #tpu.memory_space<vmem_shared>>) target(%dma_start3A_194 : memref<632x64xf32, #tpu.memory_space<hbm>>) target_semaphore(%run_scoped3A : memref<!tpu.dma_semaphore, #tpu.memory_space<semaphore_mem>>)
      %dma_wait3A_197 = tpu.memref_slice %arg5[%mul3A_191, %mul3A_193] : memref<10112x128xf32, #tpu.memory_space<hbm>> -> memref<632x64xf32, #tpu.memory_space<hbm>>
      %dma_wait3A_198 = arith.constant 0 : i32
      %dma_wait3A_199 = tpu.memref_slice %arg10[%mul3A_189, %dma_wait3A_198] : memref<10112x64xf32, #tpu.memory_space<vmem_shared>> -> memref<632x64xf32, #tpu.memory_space<vmem_shared>>
      tpu.wait_dma2 semaphore(%run_scoped3A : memref<!tpu.dma_semaphore, #tpu.memory_space<semaphore_mem>>) src(%dma_wait3A_199 : memref<632x64xf32, #tpu.memory_space<vmem_shared>>) dst(%dma_wait3A_197 : memref<632x64xf32, #tpu.memory_space<hbm>>)
      tpu.yield
    }) : () -> ()
    return
  }
}

module attributes {stable_mosaic.version = 14 : i64} {
  func.func @_mlp_a_body(%arg0: i32, %arg1: memref<1000x128xf32, #tpu.memory_space<vmem>>, %arg2: memref<64x128xf32, #tpu.memory_space<vmem>>, %arg3: memref<1x64xf32, #tpu.memory_space<vmem>>, %arg4: memref<64x64xf32, #tpu.memory_space<vmem>>, %arg5: memref<1x64xf32, #tpu.memory_space<vmem>>, %arg6: memref<64x128xf32, #tpu.memory_space<vmem>>, %arg7: memref<1x64xf32, #tpu.memory_space<vmem>>, %arg8: memref<64x128xf32, #tpu.memory_space<vmem>>, %arg9: memref<1x64xf32, #tpu.memory_space<vmem>>, %arg10: memref<1000x64xbf16, #tpu.memory_space<vmem>>, %arg11: memref<1000x64xf32, #tpu.memory_space<vmem>>) attributes {dimension_semantics = [#tpu.dimension_semantics<arbitrary>], iteration_bounds = array<i64: 10>, scalar_prefetch = 0 : i64, scratch_operands = 0 : i64, tpu.core_type = #tpu.core_type<tc>, window_params = [{transform_indices = @transform_0, window_bounds = array<i64: 1000, 128>}, {pipeline_mode = #tpu.pipeline_mode<synchronous>, transform_indices = @transform_1, window_bounds = array<i64: 64, 128>}, {pipeline_mode = #tpu.pipeline_mode<synchronous>, transform_indices = @transform_2, window_bounds = array<i64: 1, 64>}, {pipeline_mode = #tpu.pipeline_mode<synchronous>, transform_indices = @transform_3, window_bounds = array<i64: 64, 64>}, {pipeline_mode = #tpu.pipeline_mode<synchronous>, transform_indices = @transform_4, window_bounds = array<i64: 1, 64>}, {pipeline_mode = #tpu.pipeline_mode<synchronous>, transform_indices = @transform_5, window_bounds = array<i64: 64, 128>}, {pipeline_mode = #tpu.pipeline_mode<synchronous>, transform_indices = @transform_6, window_bounds = array<i64: 1, 64>}, {pipeline_mode = #tpu.pipeline_mode<synchronous>, transform_indices = @transform_7, window_bounds = array<i64: 64, 128>}, {pipeline_mode = #tpu.pipeline_mode<synchronous>, transform_indices = @transform_8, window_bounds = array<i64: 1, 64>}, {transform_indices = @transform_9, window_bounds = array<i64: 1000, 64>}, {transform_indices = @transform_10, window_bounds = array<i64: 1000, 64>}]} {
    %get3A = arith.constant 0 : index
    %get3A_0 = arith.constant 0 : index
    %get3A_1 = vector.load %arg1[%get3A, %get3A_0] : memref<1000x128xf32, #tpu.memory_space<vmem>>, vector<1000x128xf32>
    %get3A_2 = arith.constant 0 : index
    %get3A_3 = arith.constant 0 : index
    %get3A_4 = vector.load %arg2[%get3A_2, %get3A_3] : memref<64x128xf32, #tpu.memory_space<vmem>>, vector<64x128xf32>
    %dot_general3A = arith.constant dense<0.000000e+00> : vector<1000x64xf32>
    %dot_general3A_5 = tpu.matmul %get3A_1, %get3A_4, %dot_general3A {dimension_numbers = #tpu.dot_dimension_numbers<[1], [1], [0], [0], [0, 0, 1, 0], [], []>, transpose_lhs_hint = false} : vector<1000x128xf32>, vector<64x128xf32>, vector<1000x64xf32> -> vector<1000x64xf32>
    %get3A_6 = arith.constant 0 : index
    %get3A_7 = arith.constant 0 : index
    %get3A_8 = vector.load %arg3[%get3A_6, %get3A_7] : memref<1x64xf32, #tpu.memory_space<vmem>>, vector<1x64xf32>
    %add3A = vector.broadcast %get3A_8 : vector<1x64xf32> to vector<1000x64xf32>
    %add3A_9 = arith.addf %dot_general3A_5, %add3A : vector<1000x64xf32>
    %tanh3A = math.tanh %add3A_9 : vector<1000x64xf32>
    %get3A_10 = arith.constant 0 : index
    %get3A_11 = arith.constant 0 : index
    %get3A_12 = vector.load %arg4[%get3A_10, %get3A_11] : memref<64x64xf32, #tpu.memory_space<vmem>>, vector<64x64xf32>
    %dot_general3A_13 = arith.constant dense<0.000000e+00> : vector<1000x64xf32>
    %dot_general3A_14 = tpu.matmul %tanh3A, %get3A_12, %dot_general3A_13 {dimension_numbers = #tpu.dot_dimension_numbers<[1], [0], [0], [1], [0, 0, 1, 1], [], []>, transpose_lhs_hint = false} : vector<1000x64xf32>, vector<64x64xf32>, vector<1000x64xf32> -> vector<1000x64xf32>
    %get3A_15 = arith.constant 0 : index
    %get3A_16 = arith.constant 0 : index
    %get3A_17 = vector.load %arg5[%get3A_15, %get3A_16] : memref<1x64xf32, #tpu.memory_space<vmem>>, vector<1x64xf32>
    %add3A_18 = vector.broadcast %get3A_17 : vector<1x64xf32> to vector<1000x64xf32>
    %add3A_19 = arith.addf %dot_general3A_14, %add3A_18 : vector<1000x64xf32>
    %logistic3A = arith.negf %add3A_19 : vector<1000x64xf32>
    %logistic3A_20 = math.exp %logistic3A : vector<1000x64xf32>
    %logistic3A_21 = arith.constant 1.000000e+00 : f32
    %logistic3A_22 = vector.broadcast %logistic3A_21 : f32 to vector<1000x64xf32>
    %logistic3A_23 = arith.addf %logistic3A_22, %logistic3A_20 : vector<1000x64xf32>
    %logistic3A_24 = arith.divf %logistic3A_22, %logistic3A_23 : vector<1000x64xf32>
    %get3A_25 = arith.constant 0 : index
    %get3A_26 = arith.constant 0 : index
    %get3A_27 = vector.load %arg6[%get3A_25, %get3A_26] : memref<64x128xf32, #tpu.memory_space<vmem>>, vector<64x128xf32>
    %dot_general3A_28 = arith.constant dense<0.000000e+00> : vector<1000x64xf32>
    %dot_general3A_29 = tpu.matmul %get3A_1, %get3A_27, %dot_general3A_28 {dimension_numbers = #tpu.dot_dimension_numbers<[1], [1], [0], [0], [0, 0, 1, 0], [], []>, transpose_lhs_hint = false} : vector<1000x128xf32>, vector<64x128xf32>, vector<1000x64xf32> -> vector<1000x64xf32>
    %get3A_30 = arith.constant 0 : index
    %get3A_31 = arith.constant 0 : index
    %get3A_32 = vector.load %arg7[%get3A_30, %get3A_31] : memref<1x64xf32, #tpu.memory_space<vmem>>, vector<1x64xf32>
    %add3A_33 = vector.broadcast %get3A_32 : vector<1x64xf32> to vector<1000x64xf32>
    %add3A_34 = arith.addf %dot_general3A_29, %add3A_33 : vector<1000x64xf32>
    %max3A = arith.constant 0.000000e+00 : f32
    %max3A_35 = vector.broadcast %max3A : f32 to vector<1000x64xf32>
    %max3A_36 = arith.maximumf %add3A_34, %max3A_35 : vector<1000x64xf32>
    %get3A_37 = arith.constant 0 : index
    %get3A_38 = arith.constant 0 : index
    %get3A_39 = vector.load %arg8[%get3A_37, %get3A_38] : memref<64x128xf32, #tpu.memory_space<vmem>>, vector<64x128xf32>
    %dot_general3A_40 = arith.constant dense<0.000000e+00> : vector<1000x64xf32>
    %dot_general3A_41 = tpu.matmul %get3A_1, %get3A_39, %dot_general3A_40 {dimension_numbers = #tpu.dot_dimension_numbers<[1], [1], [0], [0], [0, 0, 1, 0], [], []>, transpose_lhs_hint = false} : vector<1000x128xf32>, vector<64x128xf32>, vector<1000x64xf32> -> vector<1000x64xf32>
    %get3A_42 = arith.constant 0 : index
    %get3A_43 = arith.constant 0 : index
    %get3A_44 = vector.load %arg9[%get3A_42, %get3A_43] : memref<1x64xf32, #tpu.memory_space<vmem>>, vector<1x64xf32>
    %add3A_45 = vector.broadcast %get3A_44 : vector<1x64xf32> to vector<1000x64xf32>
    %add3A_46 = arith.addf %dot_general3A_41, %add3A_45 : vector<1000x64xf32>
    %max3A_47 = arith.constant 0.000000e+00 : f32
    %max3A_48 = vector.broadcast %max3A_47 : f32 to vector<1000x64xf32>
    %max3A_49 = arith.maximumf %add3A_46, %max3A_48 : vector<1000x64xf32>
    %swap3A = arith.constant 0 : index
    %swap3A_50 = arith.constant 0 : index
    %swap3A_51 = vector.load %arg11[%swap3A, %swap3A_50] : memref<1000x64xf32, #tpu.memory_space<vmem>>, vector<1000x64xf32>
    tpu.vector_store %arg11[%swap3A, %swap3A_50], %max3A_49 {strides = array<i32>} : memref<1000x64xf32, #tpu.memory_space<vmem>>, vector<1000x64xf32>,
    %mul3A = arith.mulf %max3A_36, %logistic3A_24 : vector<1000x64xf32>
    %convert_element_type3A = arith.truncf %mul3A : vector<1000x64xf32> to vector<1000x64xbf16>
    %swap3A_52 = arith.constant 0 : index
    %swap3A_53 = arith.constant 0 : index
    %swap3A_54 = vector.load %arg10[%swap3A_52, %swap3A_53] : memref<1000x64xbf16, #tpu.memory_space<vmem>>, vector<1000x64xbf16>
    tpu.vector_store %arg10[%swap3A_52, %swap3A_53], %convert_element_type3A {strides = array<i32>} : memref<1000x64xbf16, #tpu.memory_space<vmem>>, vector<1000x64xbf16>,
    return
  }
  func.func @transform_0(%arg0: i32) -> (i32, i32) {
    %c0_i32 = arith.constant 0 : i32
    %c0_i32_0 = arith.constant 0 : i32
    return %arg0, %c0_i32 : i32, i32
  }
  func.func @transform_1(%arg0: i32) -> (i32, i32) {
    %c0_i32 = arith.constant 0 : i32
    %c0_i32_0 = arith.constant 0 : i32
    %c0_i32_1 = arith.constant 0 : i32
    return %c0_i32, %c0_i32_0 : i32, i32
  }
  func.func @transform_2(%arg0: i32) -> (i32, i32) {
    %c0_i32 = arith.constant 0 : i32
    %c0_i32_0 = arith.constant 0 : i32
    %c0_i32_1 = arith.constant 0 : i32
    return %c0_i32, %c0_i32_0 : i32, i32
  }
  func.func @transform_3(%arg0: i32) -> (i32, i32) {
    %c0_i32 = arith.constant 0 : i32
    %c0_i32_0 = arith.constant 0 : i32
    %c0_i32_1 = arith.constant 0 : i32
    return %c0_i32, %c0_i32_0 : i32, i32
  }
  func.func @transform_4(%arg0: i32) -> (i32, i32) {
    %c0_i32 = arith.constant 0 : i32
    %c0_i32_0 = arith.constant 0 : i32
    %c0_i32_1 = arith.constant 0 : i32
    return %c0_i32, %c0_i32_0 : i32, i32
  }
  func.func @transform_5(%arg0: i32) -> (i32, i32) {
    %c0_i32 = arith.constant 0 : i32
    %c0_i32_0 = arith.constant 0 : i32
    %c0_i32_1 = arith.constant 0 : i32
    return %c0_i32, %c0_i32_0 : i32, i32
  }
  func.func @transform_6(%arg0: i32) -> (i32, i32) {
    %c0_i32 = arith.constant 0 : i32
    %c0_i32_0 = arith.constant 0 : i32
    %c0_i32_1 = arith.constant 0 : i32
    return %c0_i32, %c0_i32_0 : i32, i32
  }
  func.func @transform_7(%arg0: i32) -> (i32, i32) {
    %c0_i32 = arith.constant 0 : i32
    %c0_i32_0 = arith.constant 0 : i32
    %c0_i32_1 = arith.constant 0 : i32
    return %c0_i32, %c0_i32_0 : i32, i32
  }
  func.func @transform_8(%arg0: i32) -> (i32, i32) {
    %c0_i32 = arith.constant 0 : i32
    %c0_i32_0 = arith.constant 0 : i32
    %c0_i32_1 = arith.constant 0 : i32
    return %c0_i32, %c0_i32_0 : i32, i32
  }
  func.func @transform_9(%arg0: i32) -> (i32, i32) {
    %c0_i32 = arith.constant 0 : i32
    %c0_i32_0 = arith.constant 0 : i32
    return %arg0, %c0_i32 : i32, i32
  }
  func.func @transform_10(%arg0: i32) -> (i32, i32) {
    %c0_i32 = arith.constant 0 : i32
    %c0_i32_0 = arith.constant 0 : i32
    return %arg0, %c0_i32 : i32, i32
  }
}

module attributes {stable_mosaic.version = 14 : i64} {
  func.func @_mlp_b_body(%arg0: memref<10000x64xf32, #tpu.memory_space<vmem>>, %arg1: memref<10112x128xf32, #tpu.memory_space<vmem>>, %arg2: memref<64x64xf32, #tpu.memory_space<vmem>>, %arg3: memref<1x64xf32, #tpu.memory_space<vmem>>, %arg4: memref<64x10xf32, #tpu.memory_space<vmem>>, %arg5: memref<10x1xf32, #tpu.memory_space<vmem>>, %arg6: memref<10x10000xf32, #tpu.memory_space<vmem>>) attributes {dimension_semantics = [], scalar_prefetch = 0 : i64, scratch_operands = 0 : i64, tpu.core_type = #tpu.core_type<tc>} {
    %get3A = arith.constant 0 : index
    %get3A_0 = arith.constant 0 : index
    %get3A_1 = vector.load %arg0[%get3A, %get3A_0] : memref<10000x64xf32, #tpu.memory_space<vmem>>, vector<10000x64xf32>
    %get3A_2 = arith.constant 0 : index
    %get3A_3 = arith.constant 0 : index
    %get3A_4 = vector.load %arg1[%get3A_2, %get3A_3] : memref<10112x128xf32, #tpu.memory_space<vmem>>, vector<10000x64xf32>
    %add3A = arith.addf %get3A_1, %get3A_4 : vector<10000x64xf32>
    %get3A_5 = arith.constant 0 : index
    %get3A_6 = arith.constant 64 : index
    %get3A_7 = vector.load %arg1[%get3A_5, %get3A_6] : memref<10112x128xf32, #tpu.memory_space<vmem>>, vector<10000x64xf32>
    %add3A_8 = arith.addf %add3A, %get3A_7 : vector<10000x64xf32>
    %get3A_9 = arith.constant 0 : index
    %get3A_10 = arith.constant 0 : index
    %get3A_11 = vector.load %arg2[%get3A_9, %get3A_10] : memref<64x64xf32, #tpu.memory_space<vmem>>, vector<64x64xf32>
    %dot_general3A = arith.constant dense<0.000000e+00> : vector<10000x64xf32>
    %dot_general3A_12 = tpu.matmul %add3A_8, %get3A_11, %dot_general3A {dimension_numbers = #tpu.dot_dimension_numbers<[1], [0], [0], [1], [0, 0, 1, 1], [], []>, transpose_lhs_hint = false} : vector<10000x64xf32>, vector<64x64xf32>, vector<10000x64xf32> -> vector<10000x64xf32>
    %get3A_13 = arith.constant 0 : index
    %get3A_14 = arith.constant 0 : index
    %get3A_15 = vector.load %arg3[%get3A_13, %get3A_14] : memref<1x64xf32, #tpu.memory_space<vmem>>, vector<1x64xf32>
    %add3A_16 = vector.broadcast %get3A_15 : vector<1x64xf32> to vector<10000x64xf32>
    %add3A_17 = arith.addf %dot_general3A_12, %add3A_16 : vector<10000x64xf32>
    %max3A = arith.constant 0.000000e+00 : f32
    %max3A_18 = vector.broadcast %max3A : f32 to vector<10000x64xf32>
    %max3A_19 = arith.maximumf %add3A_17, %max3A_18 : vector<10000x64xf32>
    %get3A_20 = arith.constant 0 : index
    %get3A_21 = arith.constant 0 : index
    %get3A_22 = vector.load %arg4[%get3A_20, %get3A_21] : memref<64x10xf32, #tpu.memory_space<vmem>>, vector<64x10xf32>
    %dot_general3A_23 = arith.constant dense<0.000000e+00> : vector<10x10000xf32>
    %dot_general3A_24 = tpu.matmul %get3A_22, %max3A_19, %dot_general3A_23 {dimension_numbers = #tpu.dot_dimension_numbers<[0], [1], [1], [0], [0, 1, 1, 0], [], []>, transpose_lhs_hint = false} : vector<64x10xf32>, vector<10000x64xf32>, vector<10x10000xf32> -> vector<10x10000xf32>
    %get3A_25 = arith.constant 0 : index
    %get3A_26 = arith.constant 0 : index
    %get3A_27 = vector.load %arg5[%get3A_25, %get3A_26] : memref<10x1xf32, #tpu.memory_space<vmem>>, vector<10x1xf32>
    %add3A_28 = vector.broadcast %get3A_27 : vector<10x1xf32> to vector<10x10000xf32>
    %add3A_29 = arith.addf %dot_general3A_24, %add3A_28 : vector<10x10000xf32>
    %swap3A = arith.constant 0 : index
    %swap3A_30 = arith.constant 0 : index
    %swap3A_31 = vector.load %arg6[%swap3A, %swap3A_30] : memref<10x10000xf32, #tpu.memory_space<vmem>>, vector<10x10000xf32>
    tpu.vector_store %arg6[%swap3A, %swap3A_30], %add3A_29 {strides = array<i32>} : memref<10x10000xf32, #tpu.memory_space<vmem>>, vector<10x10000xf32>,
    return
  }
}

</mosaic_0001>

<sc_bundles>
// kernel: kernel.5.cloned.1.call-start
scs
__scs_entry_jumppad:
0x0: {  	(pc) =	sbr.rel $0x88, $3  }
0x1: {  	(tag) =	ssettag $0x0;
	lr =	simm.s32 $0x1  }
0x2: {  	[smem:$0x3F95] =	sst lr;
	_ =	strace $0xD0000000  }
0x3: {  	_ = 	snop  }
0x4: {  	_ = 	snop  }
0x5: {  	_ = 	snop  }
0x6: {  	_ = 	snop  }
0x7: {  	_ = 	snop  }
__scs_overlays_trampoline_lowered:
0x8: {  	[smem:$0x3FA4] =	sst s0  }
0x9: {  	[smem:$0x3FA5] =	sst s1  }
0xa: {  	[smem:$0x3FA6] =	sst s2  }
0xb: {  	[smem:$0x3FA7] =	sst s3  }
0xc: {  	[smem:$0x3FA8] =	sst s4  }
0xd: {  	[smem:$0x3FA9] =	sst s5  }
0xe: {  	[smem:$0x3FAA] =	sst s6  }
0xf: {  	[smem:$0x3FAB] =	sst s7  }
0x10: {  	[smem:$0x3FAC] =	sst s8  }
0x11: {  	[smem:$0x3FAD] =	sst s9;
	s0 =	simm.s32 @!p0 $0x0  }
0x12: {  	s1 =	sld [smem:$0x3F93];
	s0 =	simm.s32 @p0 $0x1  }
0x13: {  	[smem:$0x3FAE] =	sst s0;
	s0 =	simm.s32 @!p1 $0x0  }
0x14: {  	s2 =	sld [smem:$0x3F92];
	s0 =	simm.s32 @p1 $0x1  }
0x15: {  	[smem:$0x3FAF] =	sst s0;
	s0 =	simm.s32 @!p2 $0x0  }
0x16: {  	s3 =	sld [smem:$0x3FDB];
	s0 =	simm.s32 @p2 $0x1  }
0x17: {  	s4 =	simm.s32 $0x1BF5;
	[smem:$0x3FB1] =	sst s0  }
0x18: {  	s0 =	sld [smem:$0x3F94];
	_ =	swait.ge [sflag:s4], $0x0  }
0x19: {  	s7 =	sld [smem:$0x3F95]  }
0x1a: {  	s8 =	sadd.s32 $0xFFFFE003, lr  }
0x1b: {  	s9 =	sadd.s32 $0xFFFFFEF7, lr;
	s5 =	simm.s32 $0xFFFFFFFF;
	p2 =	slt.u32 s8, $0xFFFFF086  }
0x1c: {  	p1 =	slt.u32 s9, $0xF7A;
	s5 =	simm.s32 @!p2 $0x0  }
0x1d: {  	s5 =	simm.s32 @p1 $0x1;
	p0 =	seq.s32 s7, s2  }
0x1e: {  	s7 =	smul.u32 @!p0 $0xF7A, s2;
	p2 =	seq.s32 @!p0 s5, $0x0  }
0x1f: {  	s9 =	smul.u32 $0xF7A, s1;
	s8 =	simm.s32 @!p0 $0x1BF5;
	p2 =	por !p2, p0  }
0x20: {  	[sflag:s8] =	ssyncset.s32 @!p0 $0xFFFFF086;
	s6 =	sadd.s32 @!p0 s3, s7;
	s7 =	simm.s32 @!p0 $0x108  }
0x21: {  	s3 =	sadd.s32 s3, s9;
	s6 =	sadd.s32 @!p0 $0x88, s6;
	s7 =	simm.s32 @p2 $0x1082  }
0x22: {  	[simem:s7], [sflag:s8] =	dma.local @!p0 [hbm:s6], $0xF7A  }
0x23: {  	s9 =	sor.u32 $0xD0000000, s2;
	s6 =	simm.s32 $0x108;
	_ =	swait.ge @!p0 [sflag:s8], $0x0  }
0x24: {  	s3 =	sadd.s32 $0x88, s3;
	s6 =	simm.s32 @!p1 $0x1082;
	[sflag:s4] =	ssyncset.s32 $0xFFFFF086  }
0x25: {  	[simem:s6], [sflag:s4] =	dma.local [hbm:s3], $0xF7A  }
0x26: {  	[smem:$0x3F95] =	sst s1;
	(tag) =	ssettag s2;
	_ =	strace s9  }
0x27: {  	s1 =	sld [smem:$0x3FA5]  }
0x28: {  	s2 =	sld [smem:$0x3FA6]  }
0x29: {  	s4 =	sld [smem:$0x3FA8]  }
0x2a: {  	p0 =	seq.s32 s5, $0x0;
	s5 =	sld [smem:$0x3FA9]  }
0x2b: {  	s6 =	sld [smem:$0x3FAA]  }
0x2c: {  	s7 =	sld [smem:$0x3FAB]  }
0x2d: {  	s3 =	simm.s32 $0x108;
	s8 =	sld [smem:$0x3FAC]  }
0x2e: {  	s3 =	simm.s32 @!p0 $0x1082;
	s9 =	sld [smem:$0x3FAD]  }
0x2f: {  	lr =	sadd.s32 s0, s3;
	s0 =	sld [smem:$0x3FA4]  }
0x30: {  	s3 =	sld [smem:$0x3FA7]  }
0x31: {  	[smem:$0x3FB0] =	sst s10  }
0x32: {  	s10 =	sld [smem:$0x3FAE];
	_ =	sdelay $0x3  }
0x33: {  	p0 =	seq.s32 s10, $0x1;
	s10 =	sld [smem:$0x3FB0];
	_ =	sdelay $0x3  }
0x34: {  	[smem:$0x3FB0] =	sst s10  }
0x35: {  	s10 =	sld [smem:$0x3FAF];
	_ =	sdelay $0x3  }
0x36: {  	p1 =	seq.s32 s10, $0x1;
	s10 =	sld [smem:$0x3FB0];
	_ =	sdelay $0x3  }
0x37: {  	[smem:$0x3FB0] =	sst s10  }
0x38: {  	s10 =	sld [smem:$0x3FB1]  }
0x39: {  	_ = 	snop;
	(pc) =	sbr.ind lr, $3  }
0x3a: {  	_ = 	snop  }
0x3b: {  	_ = 	snop  }
0x3c: {  	p2 =	seq.s32 s10, $0x1;
	s10 =	sld [smem:$0x3FB0]  }
0x3d: {  	_ =	shalt  }
0x3e: {  	_ =	shalt  }
0x3f: {  	_ =	shalt  }
0x40: {  	_ =	shalt  }
0x41: {  	_ =	shalt  }
0x42: {  	_ =	shalt  }
0x43: {  	_ =	shalt  }
0x44: {  	_ =	shalt  }
0x45: {  	_ =	shalt  }
0x46: {  	_ =	shalt  }
0x47: {  	_ =	shalt  }
0x48: {  	_ =	shalt  }
0x49: {  	_ =	shalt  }
0x4a: {  	_ =	shalt  }
0x4b: {  	_ =	shalt  }
0x4c: {  	_ =	shalt  }
0x4d: {  	_ =	shalt  }
0x4e: {  	_ =	shalt  }
0x4f: {  	_ =	shalt  }
0x50: {  	_ =	shalt  }
0x51: {  	_ =	shalt  }
0x52: {  	_ =	shalt  }
0x53: {  	_ =	shalt  }
0x54: {  	_ =	shalt  }
0x55: {  	_ =	shalt  }
0x56: {  	_ =	shalt  }
0x57: {  	_ =	shalt  }
0x58: {  	_ =	shalt  }
0x59: {  	_ =	shalt  }
0x5a: {  	_ =	shalt  }
0x5b: {  	_ =	shalt  }
0x5c: {  	_ =	shalt  }
0x5d: {  	_ =	shalt  }
0x5e: {  	_ =	shalt  }
0x5f: {  	_ =	shalt  }
0x60: {  	_ =	shalt  }
0x61: {  	_ =	shalt  }
0x62: {  	_ =	shalt  }
0x63: {  	_ =	shalt  }
0x64: {  	_ =	shalt  }
0x65: {  	_ =	shalt  }
0x66: {  	_ =	shalt  }
0x67: {  	_ =	shalt  }
0x68: {  	_ =	shalt  }
0x69: {  	_ =	shalt  }
0x6a: {  	_ =	shalt  }
0x6b: {  	_ =	shalt  }
0x6c: {  	_ =	shalt  }
0x6d: {  	_ =	shalt  }
0x6e: {  	_ =	shalt  }
0x6f: {  	_ =	shalt  }
0x70: {  	_ =	shalt  }
0x71: {  	_ =	shalt  }
0x72: {  	_ =	shalt  }
0x73: {  	_ =	shalt  }
0x74: {  	_ =	shalt  }
0x75: {  	_ =	shalt  }
0x76: {  	_ =	shalt  }
0x77: {  	_ =	shalt  }
0x78: {  	_ =	shalt  }
0x79: {  	_ =	shalt  }
0x7a: {  	_ =	shalt  }
0x7b: {  	_ =	shalt  }
0x7c: {  	_ =	shalt  }
0x7d: {  	_ =	shalt  }
0x7e: {  	_ =	shalt  }
0x7f: {  	_ =	shalt  }
0x80: {  	_ =	shalt  }
0x81: {  	_ =	shalt  }
0x82: {  	_ =	shalt  }
0x83: {  	_ =	shalt  }
0x84: {  	_ =	shalt  }
0x85: {  	_ =	shalt  }
0x86: {  	_ =	shalt  }
0x87: {  	_ =	shalt  }
.Lfunc_end0:
.L_simem_size_0:
called_computation_lowered:
.L_overlay_start_0:
0x88: {  	s2 =	sld [smem:$0x3FD9]  }
0x89: {  	s3 =	sld [smem:$0x3FFE];
	_ =	sdelay $0x1  }
0x8a: {  	s1 =	srdreg.scid  }
0x8b: {  	s0 =	sand.u32 $0x1, s1  }
0x8c: {  	s16 =	sshll.u32 s0, $0xA;
	s2 =	sadd.s32 s3, s2  }
0x8d: {  	s2 =	sadd.s32 s2, s16  }
0x8e: {  	[smem:$0x3FBC] =	sst s2  }
0x8f: {  	_ = 	snop  }
0x90: {  	(tm) =	ssettm $0x1  }
0x91: {  	s17 =	sld [smem:$0x3FFB];
	_ =	sdelay $0x3  }
0x92: {  	_ =	strace s17  }
0x93: {  	s2 =	sld [smem:$0x3FFC];
	_ =	sdelay $0x3  }
0x94: {  	_ =	strace s2  }
0x95: {  	s2 =	sld [smem:$0x3FFD];
	_ =	sdelay $0x3  }
0x96: {  	_ =	strace s2  }
0x97: {  	_ =	strace $0x8FFFFFFF  }
0x98: {  	s18 =	sld [smem:$0x3FDB];
	_ =	sdelay $0x1  }
0x99: {  	s19 =	simm.s32 $_scs_section_size  }
0x9a: {  	s4 =	simm.s32 $_size__tile_overlayer_lowered;
	s5 =	simm.s32 $_tile_overlayer_lowered  }
0x9b: {  	s22 =	simm.s32 $0x1BFF;
	s21 =	sshll.u32 s5, $0x1;
	s2 =	sadd.s32 s19, s18  }
0x9c: {  	s6 =	simm.s32 $0x0;
	s20 =	sshll.u32 s4, $0x1;
	s4 =	sadd.s32 s21, s2  }
0x9d: {  	[timem:s6], [sflag:s22] =	dma.local [hbm:s4], s20  }
0x9e: {  	_ =	swait.ge [sflag:s22], s20  }
0x9f: {  	s3 =	ssub.s32 $0x0, s20;
	[sflag:s22] =	ssyncset.done $0x0  }
0xa0: {  	[sflag:s22] =	ssyncadd.s32 s3;
	_ =	sdelay $0x1  }
0xa1: {  	s23 =	simm.s32 $0x1B8B  }
0xa2: {  	_ =	swait.ge [sflag:s23], $0x1  }
0xa3: {  	[sflag:s23] =	ssyncset.done $0x0  }
0xa4: {  	s25 =	simm.s32 $0x1B8E;
	s24 =	sld [smem:$0x3FFE];
	[sflag:s23] =	ssyncadd.s32 $0xFFFFFFFF  }
0xa5: {  	s26 =	simm.s32 $execute0_lowered;
	[smem:$0x3FD2] =	sst s25  }
0xa6: {  	s4 =	sshll.u32 s26, $0x1;
	_ =	strace $0x80000046;
	[dreg:$0x1] =	wrdreg $0xFFFFFFFF  }
0xa7: {  	s28 =	simm.s32 $_size_execute0_lowered;
	s2 =	sadd.s32 s2, s4;
	[dreg:$0x0] =	wrdreg $0x0  }
0xa8: {  	s4 =	sshll.u32 s28, $0x1;
	[dreg:$0x2] =	wrdreg s2  }
0xa9: {  	[dreg:$0x3] =	wrdreg s4  }
0xaa: {  	[dreg:$0x4] =	wrdreg $0xC0  }
0xab: {  	_ =	task [dreg:s6], $0x5FFFF  }
0xac: {  	[dreg:$0x1] =	wrdreg $0xFFFFFFFF  }
0xad: {  	[dreg:$0x0] =	wrdreg $0x60  }
0xae: {  	[dreg:$0x2] =	wrdreg s24  }
0xaf: {  	[dreg:$0x3] =	wrdreg $0xE4200  }
0xb0: {  	[dreg:$0x4] =	wrdreg $0x9  }
0xb1: {  	_ =	task.clear_ibuf [dreg:s6], $0x5FFFF;
	_ =	strace $0x90000046  }
0xb2: {  	s29 =	simm.s32 $0x9;
	_ =	strace $0x80000048  }
0xb3: {  	_ =	swait.ge [sflag:s29], $0x1  }
0xb4: {  	[sflag:s29] =	ssyncadd.s32 $0xFFFFFFFF  }
0xb5: {  	_ =	strace $0x90000048  }
0xb6: {  	_ =	sfence  }
0xb7: {  	s30 =	sld [smem:$0x0];
	_ =	sdelay $0x2  }
0xb8: {  	s31 =	sshll.u32 s1, $0xD;
	s1 =	sshrl.u32 s1, $0x2  }
0xb9: {  	s3 =	sand.u32 $0x4000, s31;
	s1 =	sadd.s32 s1, s30  }
0xba: {  	s0 =	sor.u32 s3, s0;
	s1 =	sshll.u32 s1, $0x11  }
0xbb: {  	s0 =	sor.u32 s1, s0  }
0xbc: {  	s0 =	sadd.s32 $0x8F2B, s0  }
0xbd: {  	[sflag:s0] =	ssyncadd.remote.s32 $0x1  }
0xbe: {  	_ =	sfence.sel $0xFFFF  }
0xbf: {  	[dreg:$0x0] =	wrdreg $0xFFFFFFFF;
	(pc) =	sbr.abs _section_cstart, $3  }
0xc0: {  	[dreg:$0x1] =	wrdreg $0xFFFFFFFF  }
0xc1: {  	_ =	task.clear_ibuf [dreg:s6], $0x2FFFF;
	_ =	strace $0x9FFFFFFF  }
0xc2: {  	(tm) =	ssettm $0x7FFFFFFF  }
0xc3: {  	_ =	shalt  }
tec
execute0_lowered:
.L_overlay_start_1:
0x0: {  	(tag) =	ssettag $0x1  }
0x1: {  	s0 =	srdreg.scid;
	s1 =	rddreg [dreg:$0x0]  }
0x2: {  	s9 =	stileid.u32;
	s2 =	rddreg [dreg:$0x1]  }
0x3: {  	s4 =	simm.s32 $0x0;
	s14 =	simm.s32 $0x1;
	s15 =	simm.s32 $0x2  }
0x4: {  	s16 =	simm.s32 $0x3;
	s17 =	simm.s32 $0x50;
	s18 =	simm.s32 $0x4E20  }
0x5: {  	s19 =	simm.s32 $0x5820;
	s21 =	simm.s32 $0x6220;
	s28 =	simm.s32 $0x7  }
0x6: {  	s29 =	simm.s32 $0x9420;
	s30 =	simm.s32 $0x8;
	s31 =	simm.s32 $0xA820  }
0x7: {  	s13 =	simm.s32 $0xBC20;
	s20 =	simm.s32 $0x5;
	s22 =	simm.s32 $0xA  }
0x8: {  	s0 =	sand.u32 $0x1, s0;
	[smem:$0x7FF] =	sst s4;
	s5 =	smul.u32 $0x9E00, s9  }
0x9: {  	s6 =	smul.u32 $0x13C00, s9;
	s4 =	sadd.s32 $0x1E00, s1;
	s25 =	sshll.u32 s9, $0x6  }
0xa: {  	s3 =	sshll.u32 s0, $0x4;
	_ =	strace $0x80000047;
	s7 =	sshll.u32 s0, $0x6  }
0xb: {  	s0 =	ssub.s32 $0x2, s0;
	[dreg:$0x3] =	wrdreg s25;
	s3 =	sor.u32 s9, s3  }
0xc: {  	s8 =	sshrl.u32 s5, $0x3;
	s6 =	sor.u32 s7, s6;
	s24 =	sshrl.u32 s0, $0x1  }
0xd: {  	s5 =	sadd.s32 s5, s2;
	s3 =	smul.u32 $0x2710, s3;
	s23 =	sadd.s32 s8, s1  }
0xe: {  	s6 =	sshrl.u32 s6, $0x3;
	s0 =	ssub.s32 s0, s24;
	s12 =	sshrl.u32 s5, $0x3  }
0xf: {  	s24 =	simm.s32 $0xD020;
	s8 =	simm.s32 $0x0;
	s7 =	sadd.s32 $0x1F600, s23  }
0x10: {  	s0 =	smax.u32 s0, $0x1;
	s3 =	sshrl.u32 s3, $0x3;
	[dreg:$0x4] =	wrdreg s7  }
0x11: {  	s23 =	simm.s32 $0x6C20;
	[dreg:$0x9] =	wrdreg s0;
	s3 =	sadd.s32 s3, s1  }
.Ltmp0:
0x12: {  	s1 =	sadd.s32 s6, s1;
	s6 =	sor.u32 $0x1C01, s25;
	(pc) =	sbr.rel .LBB2_1-.Ltmp0, $4  }
0x13: {  	s0 =	simm.s32 $0x9;
	[dreg:$0x5] =	wrdreg s6;
	s26 =	sadd.s32 $0xBC00, s3  }
0x14: {  	s7 =	simm.s32 $0xB;
	s3 =	sadd.s32 $0x15840, s3;
	[dreg:$0x6] =	wrdreg s26  }
0x15: {  	s25 =	simm.s32 $0x7620;
	s1 =	sadd.s32 $0x33200, s1;
	[dreg:$0x7] =	wrdreg s3  }
0x16: {  	[dreg:$0x8] =	wrdreg s1;
	s26 =	simm.s32 $0x8020;
	s1 =	simm.s32 $0x4  }
.LBB2_30:
0x17: {  	s3 =	simm.s32 $0x6  }
0x18: {  	_ =	swait.ge [sflag:s3], $0x1400  }
0x19: {  	[sflag:s3] =	ssyncset.done $0x0  }
0x1a: {  	[sflag:s3] =	ssyncadd.s32 $0xFFFFEC00  }
0x1b: {  	_ =	swait.ge [sflag:s28], $0x1400  }
0x1c: {  	[sflag:s28] =	ssyncset.done $0x0  }
0x1d: {  	[sflag:s28] =	ssyncadd.s32 $0xFFFFEC00  }
0x1e: {  	_ =	swait.ge [sflag:s30], $0x1400  }
0x1f: {  	[sflag:s30] =	ssyncset.done $0x0  }
0x20: {  	[sflag:s30] =	ssyncadd.s32 $0xFFFFEC00  }
0x21: {  	_ =	swait.ge [sflag:s0], $0x1400  }
0x22: {  	[sflag:s0] =	ssyncset.done $0x0  }
0x23: {  	[sflag:s0] =	ssyncadd.s32 $0xFFFFEC00  }
0x24: {  	_ =	swait.ge [sflag:s22], $0x1400  }
0x25: {  	[sflag:s22] =	ssyncset.done $0x0  }
0x26: {  	[sflag:s22] =	ssyncadd.s32 $0xFFFFEC00  }
0x27: {  	[bflag:$0x0] =	sbarrier.arrive $0xFFFF  }
0x28: {  	s10 =	rddreg [dreg:$0x3]  }
0x29: {  	s6 =	simm.s32 $0x10;
	s5 =	rddreg [dreg:$0x8];
	s3 =	sor.u32 $0x1C0B, s10  }
0x2a: {  	[hbm:s5@s6], [sflag:s3] =	dma.strided [spmem:s12@s30], $0x13C0, s14, $0x8   }
0x2b: {  	_ =	swait.ge [sflag:s7], $0x13C0  }
0x2c: {  	s8 =	sadd.s32 $0x1, s8;
	s11 =	rddreg [dreg:$0x9]  }
0x2d: {  	p0 =	sne.s32 s8, s11  }
.Ltmp1:
0x2e: {  	_ = 	snop;
	(pc) =	sbr.rel @!p0 .LBB2_31-.Ltmp1, $3  }
0x2f: {  	_ =	sdelay $0x1  }
0x30: {  	[sflag:s7] =	ssyncset.done $0x0  }
0x31: {  	[sflag:s7] =	ssyncadd.s32 $0xFFFFEC40  }
.LBB2_1:
0x32: {  	s3 =	rddreg [dreg:$0x4]  }
0x33: {  	s5 =	rddreg [dreg:$0x5]  }
0x34: {  	[spmem:s12], [sflag:s5] =	dma.local [hbm:s3], $0x13C0  }
0x35: {  	s10 =	simm.s32 $0x0;
	s5 =	rddreg [dreg:$0x6]  }
0x36: {  	[tilespmem:s10], [sflag:$0x2] =	stream.linear.gather [hbm4b:s5+s10], $0x2710, $0x38;
	[tilespmem:$0x18220] =	vst v63  }
0x37: {  	s6 =	simm.s32 $0x2710;
	s11 =	rddreg [dreg:$0x7]  }
0x38: {  	[tilespmem:s6], [sflag:$0x3] =	stream.linear.gather [hbm4b:s11+s10], $0x2710, $0x38;
	[tilespmem:$0x18220] =	vst v63  }
0x39: {  	_ =	swait.ge [sflag:s14], $0x13C0  }
0x3a: {  	[sflag:s14] =	ssyncset.done $0x0  }
0x3b: {  	[sflag:s14] =	ssyncadd.s32 $0xFFFFEC40  }
0x3c: {  	_ =	swait.ge [sflag:s15], $0x2710  }
0x3d: {  	[sflag:s15] =	ssyncset.done $0x0  }
0x3e: {  	[sflag:s15] =	ssyncadd.s32 $0xFFFFD8F0  }
0x3f: {  	_ =	swait.ge [sflag:s16], $0x2710  }
0x40: {  	[sflag:s16] =	ssyncset.done $0x0  }
0x41: {  	[sflag:s16] =	ssyncadd.s32 $0xFFFFD8F0  }
0x42: {  	[bflag:$0x0] =	sbarrier.arrive $0xFFFF  }
0x43: {  	[tilespmem:s18], [sflag:$0x1] =	stream.indirect.gather [hbm4b:s4+s17], $0x20, s10, s17, $0xb8;
	[tilespmem:$0x18220] =	vst v63  }
0x44: {  	_ = 	snop  }
0x45: {  	[tilespmem:s19], [sflag:$0x2] =	stream.indirect.gather [hbm4b:s4+s17], $0x20, s17, s17, $0xb8;
	[tilespmem:$0x18220] =	vst v63  }
0x46: {  	s9 =	simm.s32 $0xA0  }
0x47: {  	[tilespmem:s21], [sflag:$0x3] =	stream.indirect.gather [hbm4b:s4+s17], $0x20, s9, s17, $0xb8;
	[tilespmem:$0x18220] =	vst v63  }
0x48: {  	s10 =	simm.s32 $0xF0  }
0x49: {  	[tilespmem:s23], [sflag:$0x4] =	stream.indirect.gather [hbm4b:s4+s17], $0x20, s10, s17, $0xb8;
	[tilespmem:$0x18220] =	vst v63  }
0x4a: {  	s11 =	simm.s32 $0x140;
	s9 =	simm.s32 $0x0  }
0x4b: {  	[tilespmem:s25], [sflag:$0x5] =	stream.indirect.gather [hbm4b:s4+s17], $0x20, s11, s17, $0xb8;
	[tilespmem:$0x18220] =	vst v63  }
.LBB2_2:
0x4c: {  	_ =	swait.ge [sflag:s14], $0xA00  }
0x4d: {  	p0 =	seq.s32 s9, $0x0;
	[sflag:s14] =	ssyncset.done $0x0  }
0x4e: {  	s3 =	simm.s32 @!p0 $0x6;
	[sflag:s14] =	ssyncadd.s32 $0xFFFFF600  }
0x4f: {  	_ =	swait.ge @!p0 [sflag:s3], $0x1400  }
0x50: {  	[sflag:s3] =	ssyncset.done @!p0 $0x0  }
0x51: {  	s11 =	simm.s32 $0x0;
	[sflag:s3] =	ssyncadd.s32 @!p0 $0xFFFFEC00  }
0x52: {  	v0 =	vld [tilespmem:s11+$0x4E20];
	_ =	sdelay $0x4  }
0x53: {  	s10 =	simm.s32 $0x8040;
	v1 =	vshll.u32 v0, $0x10  }
0x54: {  	v0 =	vand.u32 $0xFFFF0000, v0;
	[tilespmem:s10+$0xFFFFFFE0] =	vst v1  }
0x55: {  	[tilespmem:s10+$0xFFFFFFF0] =	vst v0  }
0x56: {  	s5 =	simm.s32 $0x80;
	v0 =	vld [tilespmem:s11+$0x4E30];
	s11 =	simm.s32 $0x8040  }
.LBB2_3:
0x57: {  	_ =	sdelay $0x2  }
0x58: {  	p1 =	sne.s32 s5, $0x2780  }
0x59: {  	s10 =	sadd.s32 $0x40, s10;
	s3 =	smov.u32 s5;
	s5 =	sadd.s32 $0x80, s5;
	v1 =	vshll.u32 v0, $0x10;
	v0 =	vand.u32 $0xFFFF0000, v0  }
0x5a: {  	[tilespmem:s11+$0x0] =	vst v1  }
0x5b: {  	s3 =	sshra.s32 s3, $0x2;
	[tilespmem:s11+$0x10] =	vst v0;
	s11 =	smov.u32 s10  }
0x5c: {  	v0 =	vld [tilespmem:s3+$0x4E20];
	_ =	sdelay $0x3  }
.Ltmp2:
0x5d: {  	(pc) =	sbr.rel @p1 .LBB2_3-.Ltmp2, $4  }
0x5e: {  	v1 =	vshll.u32 v0, $0x10;
	v0 =	vand.u32 $0xFFFF0000, v0  }
0x5f: {  	[tilespmem:s10+$0xFFFFFFE0] =	vst v1  }
0x60: {  	[tilespmem:s10+$0xFFFFFFF0] =	vst v0  }
0x61: {  	v0 =	vld [tilespmem:s3+$0x4E30]  }
0x62: {  	_ =	sdelay $0x1  }
0x63: {  	s3 =	smul.u32 $0x640, s9;
	p1 =	sne.s32 s9, $0x18  }
.Ltmp3:
0x64: {  	_ = 	snop;
	(pc) =	sbr.rel @p1 .LBB2_6-.Ltmp3, $4  }
0x65: {  	v1 =	vshll.u32 v0, $0x10  }
0x66: {  	s10 =	sshra.s32 s3, $0x2;
	v63 =	vand.u32 $0xFFFF0000, v0;
	[tilespmem:s11+$0x0] =	vst v1  }
0x67: {  	s3 =	sadd.s32 $0x2710, s10;
	[tilespmem:s11+$0x10] =	vst v63  }
0x68: {  	[spmem:s2] =	stream.indirect.scatter.add.f32 [tilespmem:s26], [sflag:$0x6], $0x40, s3, s17, $0xb8;
	[tilespmem:$0x18220] =	vst v63  }
.Ltmp4:
0x69: {  	(pc) =	sbr.rel .LBB2_7-.Ltmp4, $4  }
0x6a: {  	_ = 	snop  }
0x6b: {  	_ =	swait.ge [sflag:s15], $0xA00  }
0x6c: {  	[sflag:s15] =	ssyncset.done $0x0  }
0x6d: {  	[sflag:s15] =	ssyncadd.s32 $0xFFFFF600  }
.LBB2_6:
.Ltmp5:
0x6e: {  	s3 =	sadd.s32 $0x190, s10;
	(pc) =	sbr.rel @p0 .LBB2_8-.Ltmp5, $4  }
0x6f: {  	[tilespmem:s18], [sflag:$0x1] =	stream.indirect.gather [hbm4b:s4+s17], $0x20, s3, s17, $0xb8;
	[tilespmem:$0x18220] =	vst v63  }
0x70: {  	_ =	swait.ge [sflag:s15], $0xA00  }
0x71: {  	[sflag:s15] =	ssyncset.done $0x0  }
0x72: {  	[sflag:s15] =	ssyncadd.s32 $0xFFFFF600  }
.LBB2_7:
0x73: {  	_ =	swait.ge [sflag:s28], $0x1400  }
0x74: {  	[sflag:s28] =	ssyncset.done $0x0  }
0x75: {  	[sflag:s28] =	ssyncadd.s32 $0xFFFFEC00  }
.LBB2_8:
0x76: {  	s5 =	simm.s32 $0x0  }
0x77: {  	v0 =	vld [tilespmem:s5+$0x5820];
	_ =	sdelay $0x4  }
0x78: {  	s11 =	simm.s32 $0x9450;
	v1 =	vshll.u32 v0, $0x10  }
0x79: {  	v0 =	vand.u32 $0xFFFF0000, v0;
	[tilespmem:s11+$0xFFFFFFD0] =	vst v1  }
0x7a: {  	[tilespmem:s11+$0xFFFFFFE0] =	vst v0  }
0x7b: {  	s3 =	simm.s32 $0x80;
	v0 =	vld [tilespmem:s5+$0x5830];
	s5 =	simm.s32 $0x9450  }
.LBB2_9:
0x7c: {  	_ =	sdelay $0x2  }
0x7d: {  	p2 =	sne.s32 s3, $0x2780  }
0x7e: {  	s11 =	sadd.s32 $0x40, s11;
	s6 =	smov.u32 s3;
	s3 =	sadd.s32 $0x80, s3;
	v1 =	vshll.u32 v0, $0x10;
	v0 =	vand.u32 $0xFFFF0000, v0  }
0x7f: {  	[tilespmem:s5+$0xFFFFFFF0] =	vst v1  }
0x80: {  	s6 =	sshra.s32 s6, $0x2;
	[tilespmem:s5+$0x0] =	vst v0;
	s5 =	smov.u32 s11  }
0x81: {  	v0 =	vld [tilespmem:s6+$0x5820];
	_ =	sdelay $0x3  }
.Ltmp6:
0x82: {  	(pc) =	sbr.rel @p2 .LBB2_9-.Ltmp6, $4  }
0x83: {  	v1 =	vshll.u32 v0, $0x10;
	v0 =	vand.u32 $0xFFFF0000, v0  }
0x84: {  	[tilespmem:s11+$0xFFFFFFD0] =	vst v1  }
0x85: {  	[tilespmem:s11+$0xFFFFFFE0] =	vst v0  }
0x86: {  	v0 =	vld [tilespmem:s6+$0x5830]  }
0x87: {  	_ =	sdelay $0x2  }
.Ltmp7:
0x88: {  	_ = 	snop;
	(pc) =	sbr.rel @p1 .LBB2_12-.Ltmp7, $4  }
0x89: {  	v1 =	vshll.u32 v0, $0x10  }
0x8a: {  	v63 =	vand.u32 $0xFFFF0000, v0;
	[tilespmem:s5+$0xFFFFFFF0] =	vst v1  }
0x8b: {  	s3 =	sadd.s32 $0x2760, s10;
	[tilespmem:s5+$0x0] =	vst v63  }
0x8c: {  	[spmem:s2] =	stream.indirect.scatter.add.f32 [tilespmem:s29], [sflag:$0x7], $0x40, s3, s17, $0xb8;
	[tilespmem:$0x18220] =	vst v63  }
.Ltmp8:
0x8d: {  	(pc) =	sbr.rel .LBB2_13-.Ltmp8, $4  }
0x8e: {  	_ = 	snop  }
0x8f: {  	_ =	swait.ge [sflag:s16], $0xA00  }
0x90: {  	[sflag:s16] =	ssyncset.done $0x0  }
0x91: {  	[sflag:s16] =	ssyncadd.s32 $0xFFFFF600  }
.LBB2_12:
.Ltmp9:
0x92: {  	s3 =	sadd.s32 $0x1E0, s10;
	(pc) =	sbr.rel @p0 .LBB2_14-.Ltmp9, $4  }
0x93: {  	[tilespmem:s19], [sflag:$0x2] =	stream.indirect.gather [hbm4b:s4+s17], $0x20, s3, s17, $0xb8;
	[tilespmem:$0x18220] =	vst v63  }
0x94: {  	_ =	swait.ge [sflag:s16], $0xA00  }
0x95: {  	[sflag:s16] =	ssyncset.done $0x0  }
0x96: {  	[sflag:s16] =	ssyncadd.s32 $0xFFFFF600  }
.LBB2_13:
0x97: {  	_ =	swait.ge [sflag:s30], $0x1400  }
0x98: {  	[sflag:s30] =	ssyncset.done $0x0  }
0x99: {  	[sflag:s30] =	ssyncadd.s32 $0xFFFFEC00  }
.LBB2_14:
0x9a: {  	s5 =	simm.s32 $0x0  }
0x9b: {  	v0 =	vld [tilespmem:s5+$0x6220];
	_ =	sdelay $0x4  }
0x9c: {  	s11 =	simm.s32 $0xA850;
	v1 =	vshll.u32 v0, $0x10  }
0x9d: {  	v0 =	vand.u32 $0xFFFF0000, v0;
	[tilespmem:s11+$0xFFFFFFD0] =	vst v1  }
0x9e: {  	[tilespmem:s11+$0xFFFFFFE0] =	vst v0  }
0x9f: {  	s3 =	simm.s32 $0x80;
	v0 =	vld [tilespmem:s5+$0x6230];
	s5 =	simm.s32 $0xA850  }
.LBB2_15:
0xa0: {  	_ =	sdelay $0x2  }
0xa1: {  	p2 =	sne.s32 s3, $0x2780  }
0xa2: {  	s11 =	sadd.s32 $0x40, s11;
	s6 =	smov.u32 s3;
	s3 =	sadd.s32 $0x80, s3;
	v1 =	vshll.u32 v0, $0x10;
	v0 =	vand.u32 $0xFFFF0000, v0  }
0xa3: {  	[tilespmem:s5+$0xFFFFFFF0] =	vst v1  }
0xa4: {  	s6 =	sshra.s32 s6, $0x2;
	[tilespmem:s5+$0x0] =	vst v0;
	s5 =	smov.u32 s11  }
0xa5: {  	v0 =	vld [tilespmem:s6+$0x6220];
	_ =	sdelay $0x3  }
.Ltmp10:
0xa6: {  	(pc) =	sbr.rel @p2 .LBB2_15-.Ltmp10, $4  }
0xa7: {  	v1 =	vshll.u32 v0, $0x10;
	v0 =	vand.u32 $0xFFFF0000, v0  }
0xa8: {  	[tilespmem:s11+$0xFFFFFFD0] =	vst v1  }
0xa9: {  	[tilespmem:s11+$0xFFFFFFE0] =	vst v0  }
0xaa: {  	v0 =	vld [tilespmem:s6+$0x6230]  }
0xab: {  	_ =	sdelay $0x2  }
.Ltmp11:
0xac: {  	_ = 	snop;
	(pc) =	sbr.rel @p1 .LBB2_18-.Ltmp11, $4  }
0xad: {  	v1 =	vshll.u32 v0, $0x10  }
0xae: {  	v63 =	vand.u32 $0xFFFF0000, v0;
	[tilespmem:s5+$0xFFFFFFF0] =	vst v1  }
0xaf: {  	s3 =	sadd.s32 $0x27B0, s10;
	[tilespmem:s5+$0x0] =	vst v63  }
0xb0: {  	[spmem:s2] =	stream.indirect.scatter.add.f32 [tilespmem:s31], [sflag:$0x8], $0x40, s3, s17, $0xb8;
	[tilespmem:$0x18220] =	vst v63  }
.Ltmp12:
0xb1: {  	(pc) =	sbr.rel .LBB2_19-.Ltmp12, $4  }
0xb2: {  	_ = 	snop  }
0xb3: {  	_ =	swait.ge [sflag:s1], $0xA00  }
0xb4: {  	[sflag:s1] =	ssyncset.done $0x0  }
0xb5: {  	[sflag:s1] =	ssyncadd.s32 $0xFFFFF600  }
.LBB2_18:
.Ltmp13:
0xb6: {  	s3 =	sadd.s32 $0x230, s10;
	(pc) =	sbr.rel @p0 .LBB2_20-.Ltmp13, $4  }
0xb7: {  	[tilespmem:s21], [sflag:$0x3] =	stream.indirect.gather [hbm4b:s4+s17], $0x20, s3, s17, $0xb8;
	[tilespmem:$0x18220] =	vst v63  }
0xb8: {  	_ =	swait.ge [sflag:s1], $0xA00  }
0xb9: {  	[sflag:s1] =	ssyncset.done $0x0  }
0xba: {  	[sflag:s1] =	ssyncadd.s32 $0xFFFFF600  }
.LBB2_19:
0xbb: {  	_ =	swait.ge [sflag:s0], $0x1400  }
0xbc: {  	[sflag:s0] =	ssyncset.done $0x0  }
0xbd: {  	[sflag:s0] =	ssyncadd.s32 $0xFFFFEC00  }
.LBB2_20:
0xbe: {  	s5 =	simm.s32 $0x0  }
0xbf: {  	v0 =	vld [tilespmem:s5+$0x6C20];
	_ =	sdelay $0x4  }
0xc0: {  	s11 =	simm.s32 $0xBC50;
	v1 =	vshll.u32 v0, $0x10  }
0xc1: {  	v0 =	vand.u32 $0xFFFF0000, v0;
	[tilespmem:s11+$0xFFFFFFD0] =	vst v1  }
0xc2: {  	[tilespmem:s11+$0xFFFFFFE0] =	vst v0  }
0xc3: {  	s3 =	simm.s32 $0x80;
	v0 =	vld [tilespmem:s5+$0x6C30];
	s5 =	simm.s32 $0xBC50  }
.LBB2_21:
0xc4: {  	_ =	sdelay $0x2  }
0xc5: {  	p2 =	sne.s32 s3, $0x2780  }
0xc6: {  	s11 =	sadd.s32 $0x40, s11;
	s6 =	smov.u32 s3;
	s3 =	sadd.s32 $0x80, s3;
	v1 =	vshll.u32 v0, $0x10;
	v0 =	vand.u32 $0xFFFF0000, v0  }
0xc7: {  	[tilespmem:s5+$0xFFFFFFF0] =	vst v1  }
0xc8: {  	s6 =	sshra.s32 s6, $0x2;
	[tilespmem:s5+$0x0] =	vst v0;
	s5 =	smov.u32 s11  }
0xc9: {  	v0 =	vld [tilespmem:s6+$0x6C20];
	_ =	sdelay $0x3  }
.Ltmp14:
0xca: {  	(pc) =	sbr.rel @p2 .LBB2_21-.Ltmp14, $4  }
0xcb: {  	v1 =	vshll.u32 v0, $0x10;
	v0 =	vand.u32 $0xFFFF0000, v0  }
0xcc: {  	[tilespmem:s11+$0xFFFFFFD0] =	vst v1  }
0xcd: {  	[tilespmem:s11+$0xFFFFFFE0] =	vst v0  }
0xce: {  	v0 =	vld [tilespmem:s6+$0x6C30]  }
0xcf: {  	_ =	sdelay $0x2  }
.Ltmp15:
0xd0: {  	_ = 	snop;
	(pc) =	sbr.rel @p1 .LBB2_24-.Ltmp15, $4  }
0xd1: {  	v1 =	vshll.u32 v0, $0x10  }
0xd2: {  	v63 =	vand.u32 $0xFFFF0000, v0;
	[tilespmem:s5+$0xFFFFFFF0] =	vst v1  }
0xd3: {  	s3 =	sadd.s32 $0x2800, s10;
	[tilespmem:s5+$0x0] =	vst v63  }
0xd4: {  	[spmem:s2] =	stream.indirect.scatter.add.f32 [tilespmem:s13], [sflag:$0x9], $0x40, s3, s17, $0xb8;
	[tilespmem:$0x18220] =	vst v63  }
.Ltmp16:
0xd5: {  	(pc) =	sbr.rel .LBB2_25-.Ltmp16, $4  }
0xd6: {  	_ = 	snop  }
0xd7: {  	_ =	swait.ge [sflag:s20], $0xA00  }
0xd8: {  	[sflag:s20] =	ssyncset.done $0x0  }
0xd9: {  	[sflag:s20] =	ssyncadd.s32 $0xFFFFF600  }
.LBB2_24:
.Ltmp17:
0xda: {  	s3 =	sadd.s32 $0x280, s10;
	(pc) =	sbr.rel @p0 .LBB2_26-.Ltmp17, $4  }
0xdb: {  	[tilespmem:s23], [sflag:$0x4] =	stream.indirect.gather [hbm4b:s4+s17], $0x20, s3, s17, $0xb8;
	[tilespmem:$0x18220] =	vst v63  }
0xdc: {  	_ =	swait.ge [sflag:s20], $0xA00  }
0xdd: {  	[sflag:s20] =	ssyncset.done $0x0  }
0xde: {  	[sflag:s20] =	ssyncadd.s32 $0xFFFFF600  }
.LBB2_25:
0xdf: {  	_ =	swait.ge [sflag:s22], $0x1400  }
0xe0: {  	[sflag:s22] =	ssyncset.done $0x0  }
0xe1: {  	[sflag:s22] =	ssyncadd.s32 $0xFFFFEC00  }
.LBB2_26:
0xe2: {  	s11 =	simm.s32 $0x7630  }
0xe3: {  	v0 =	vld [tilespmem:s11+$0xFFFFFFF0];
	_ =	sdelay $0x4  }
0xe4: {  	s5 =	simm.s32 $0x0;
	v1 =	vshll.u32 v0, $0x10  }
0xe5: {  	v0 =	vand.u32 $0xFFFF0000, v0;
	[tilespmem:s5+$0xD020] =	vst v1  }
0xe6: {  	[tilespmem:s5+$0xD030] =	vst v0  }
0xe7: {  	s3 =	simm.s32 $0x100;
	v0 =	vld [tilespmem:s11+$0x0]  }
.LBB2_27:
0xe8: {  	_ =	sdelay $0x2  }
0xe9: {  	p0 =	sne.s32 s3, $0x4F00  }
0xea: {  	s11 =	sadd.s32 $0x20, s11;
	s6 =	smov.u32 s3;
	s3 =	sadd.s32 $0x100, s3;
	v1 =	vshll.u32 v0, $0x10;
	v0 =	vand.u32 $0xFFFF0000, v0  }
0xeb: {  	[tilespmem:s5+$0xD040] =	vst v1  }
0xec: {  	[tilespmem:s5+$0xD050] =	vst v0  }
0xed: {  	v0 =	vld [tilespmem:s11+$0xFFFFFFF0];
	_ =	sdelay $0x3  }
.Ltmp18:
0xee: {  	(pc) =	sbr.rel @p0 .LBB2_27-.Ltmp18, $4  }
0xef: {  	s5 =	sshra.s32 s6, $0x2;
	v1 =	vshll.u32 v0, $0x10;
	v0 =	vand.u32 $0xFFFF0000, v0  }
0xf0: {  	[tilespmem:s5+$0xD020] =	vst v1  }
0xf1: {  	[tilespmem:s5+$0xD030] =	vst v0  }
0xf2: {  	v0 =	vld [tilespmem:s11+$0x0]  }
0xf3: {  	_ =	sdelay $0x1  }
0xf4: {  	p0 =	seq.s32 s9, $0x18  }
.Ltmp19:
0xf5: {  	_ = 	snop;
	(pc) =	sbr.rel @p0 .LBB2_30-.Ltmp19, $4  }
0xf6: {  	v1 =	vshll.u32 v0, $0x10  }
0xf7: {  	v63 =	vand.u32 $0xFFFF0000, v0;
	[tilespmem:s5+$0xD040] =	vst v1  }
0xf8: {  	s3 =	sadd.s32 $0x2850, s10;
	[tilespmem:s5+$0xD050] =	vst v63  }
0xf9: {  	[spmem:s2] =	stream.indirect.scatter.add.f32 [tilespmem:s24], [sflag:$0xA], $0x40, s3, s17, $0xb8;
	[tilespmem:$0x18220] =	vst v63  }
.Ltmp20:
0xfa: {  	(pc) =	sbr.rel .LBB2_2-.Ltmp20, $3  }
0xfb: {  	_ =	sdelay $0x1  }
0xfc: {  	s3 =	sadd.s32 $0x2D0, s10;
	s9 =	sadd.s32 $0x1, s9  }
0xfd: {  	[tilespmem:s25], [sflag:$0x5] =	stream.indirect.gather [hbm4b:s4+s17], $0x20, s3, s17, $0xb8;
	[tilespmem:$0x18220] =	vst v63  }
.LBB2_31:
0xfe: {  	_ =	sfence.sel $0x180000  }
0xff: {  	[bflag:$0x0] =	sbarrier.arrive $0xFFFF  }
0x100: {  	_ =	strace $0x90000047  }
0x101: {  	s0 =	stileid.u32;
	[bflag:$0x2] =	sbarrier.arrive $0xFFFF  }
0x102: {  	p0 =	sne.s32 s0, $0x0;
	s0 =	rddreg [dreg:$0x2]  }
0x103: {  	s0 =	sadd.s32 @!p0 $0x100000, s0  }
0x104: {  	[sflag:s0] =	ssyncadd.tile.s32 @!p0 $0x1;
	_ =	shalt  }
.Lfunc_end2:
_tile_overlayer_lowered:
.L_overlay_start_2:
0x105: {  	(tag) =	ssettag $0x2  }
0x106: {  	s0 =	rddreg [dreg:$0x0];
	s2 =	stileid.u32  }
0x107: {  	s1 =	rddreg [dreg:$0x1];
	p0 =	sne.s32 s2, $0x0  }
0x108: {  	s3 =	rddreg [dreg:$0x2];
	[bflag:$0x3] =	sbarrier.arrive $0xFFFF;
	s2 =	simm.s32 @!p0 $0x1C0B  }
0x109: {  	[timem:s3], [sflag:s2] =	dma.local @!p0 [hbm:s0], s1  }
0x10a: {  	s0 =	simm.s32 @!p0 $0xB  }
0x10b: {  	_ =	swait.ge @!p0 [sflag:s0], s1  }
0x10c: {  	s1 =	ssub.s32 @!p0 $0x0, s1;
	[sflag:s0] =	ssyncset.done @!p0 $0x0  }
0x10d: {  	[sflag:s0] =	ssyncadd.s32 @!p0 s1  }
0x10e: {  	[bflag:$0x3] =	sbarrier.arrive $0xFFFF  }
0x10f: {  	_ =	shalt  }

</sc_bundles>
